<compile_context>
chip_gen: v7x
topology: tpu7x:2x2x1
jax: 0.10.2.dev20260603
libtpu: 0.0.44.dev20260713+nightly
codegen_flags: <defaults>
</compile_context>

<pallas_src>
import functools

import jax
import jax.numpy as jnp
from jax import lax
from jax.experimental import pallas as pl
from jax.experimental.pallas import tpu as pltpu
from jax.experimental.pallas import tpu_sc as plsc

E = 8
TOPK = 2
NEG_INF = -1e30

NC = 2
NS = 16
NW = NC * NS
CHUNK = 32

TR = 128


def _router_kernel(x_ref, rw_ref, xb_ref, wa_ref, wb_ref, pa_ref, pb_ref,
                   off_ref):
    x = x_ref[...]
    T = x.shape[0]
    xb_ref[...] = pltpu.bitcast(
        x.reshape(T, 16, 128).astype(jnp.bfloat16), jnp.int32)
    logits = jax.lax.dot_general(
        x.astype(jnp.bfloat16), rw_ref[...].astype(jnp.bfloat16),
        (((1,), (1,)), ((), ())),
        preferred_element_type=jnp.float32)
    lane8 = lax.broadcasted_iota(jnp.int32, (T, E), 1)
    m1 = jnp.max(logits, axis=1, keepdims=True)
    a1 = jnp.argmax(logits, axis=1, keepdims=True)
    masked = jnp.where(lane8 == a1, NEG_INF, logits)
    m2 = jnp.max(masked, axis=1, keepdims=True)
    a2 = jnp.argmax(masked, axis=1, keepdims=True)
    ex = jnp.exp(logits - m1)
    denom = jnp.sum(ex, axis=1, keepdims=True)
    wa_ref[...] = 1.0 / denom
    wb_ref[...] = jnp.exp(m2 - m1) / denom

    na = (lane8 == a1).astype(jnp.bfloat16)
    nb = (lane8 == a2).astype(jnp.bfloat16)
    n = na + nb
    rowi = lax.broadcasted_iota(jnp.int32, (T, T), 0)
    coli = lax.broadcasted_iota(jnp.int32, (T, T), 1)
    tri = jnp.where(coli < rowi, 1.0, 0.0).astype(jnp.bfloat16)
    cx = jax.lax.dot_general(
        tri, n, (((1,), (0,)), ((), ())),
        preferred_element_type=jnp.float32)
    tot = jnp.sum(n.astype(jnp.float32), axis=0, keepdims=True)
    e8r = lax.broadcasted_iota(jnp.int32, (E, E), 0)
    e8c = lax.broadcasted_iota(jnp.int32, (E, E), 1)
    tri8 = jnp.where(e8r < e8c, 1.0, 0.0)
    off = jax.lax.dot_general(
        tot, tri8, (((1,), (0,)), ((), ())),
        preferred_element_type=jnp.float32,
        precision=jax.lax.Precision.HIGHEST)
    dest = cx + off
    pa = jnp.sum(jnp.where(lane8 == a1, dest, 0.0), axis=1, keepdims=True)
    pb = jnp.sum(jnp.where(lane8 == a2, dest, 0.0), axis=1, keepdims=True)
    pa_ref[...] = pa.astype(jnp.int32)
    pb_ref[...] = pb.astype(jnp.int32)
    off_ref[...] = off.astype(jnp.int32)


def _sc_dispatch(xw, pall3):
    T = xw.shape[0]
    S = TOPK * T
    per_w = S // NW
    n_chunks = per_w // CHUNK
    mesh = plsc.VectorSubcoreMesh(core_axis_name="c", subcore_axis_name="s")

    @functools.partial(
        pl.kernel, mesh=mesh,
        out_type=jax.ShapeDtypeStruct((S, 8, 128), jnp.int32),
        scratch_types=[
            pltpu.VMEM((n_chunks, CHUNK), jnp.int32),
            pltpu.VMEM((CHUNK, 8, 128), jnp.int32),
            pltpu.SemaphoreType.DMA,
        ],
    )
    def k(xw_hbm, idx_hbm, xs_hbm, idx_v, rows_v, sem):
        wid = lax.axis_index("s") * NC + lax.axis_index("c")
        pltpu.sync_copy(idx_hbm.at[wid], idx_v)
        tok_base = (wid % NS) * per_w
        for c in range(n_chunks):
            pltpu.sync_copy(xw_hbm.at[pl.ds(tok_base + c * CHUNK, CHUNK)],
                            rows_v)
            pltpu.async_copy(rows_v, xs_hbm.at[idx_v.at[c]], sem).wait()

    return k(xw, pall3)


def _sc_combine(yw, pall3):
    S = yw.shape[0]
    per_w = S // NW
    n_chunks = per_w // CHUNK
    mesh = plsc.VectorSubcoreMesh(core_axis_name="c", subcore_axis_name="s")

    @functools.partial(
        pl.kernel, mesh=mesh,
        out_type=jax.ShapeDtypeStruct((S, 8, 128), jnp.int32),
        scratch_types=[
            pltpu.VMEM((n_chunks, CHUNK), jnp.int32),
            pltpu.VMEM((CHUNK, 8, 128), jnp.int32),
            pltpu.SemaphoreType.DMA,
        ],
    )
    def k(yw_hbm, idx_hbm, g_hbm, idx_v, rows_v, sem):
        wid = lax.axis_index("s") * NC + lax.axis_index("c")
        pltpu.sync_copy(idx_hbm.at[wid], idx_v)
        base = wid * per_w
        for c in range(n_chunks):
            pltpu.async_copy(yw_hbm.at[idx_v.at[c]], rows_v, sem).wait()
            pltpu.sync_copy(rows_v, g_hbm.at[pl.ds(base + c * CHUNK, CHUNK)])

    return k(yw, pall3)


def _gmm_kernel(tid_ref, gid_ref, lo_ref, hi_ref, xs_ref, w1_ref, w2_ref,
                y_ref):
    s = pl.program_id(0)
    lo = lo_ref[s]
    hi = hi_ref[s]

    @pl.when(lo < hi)
    def _():
        xs = pltpu.bitcast(xs_ref[...], jnp.bfloat16).reshape(TR, 2048)
        h = jax.lax.dot_general(
            xs, w1_ref[...], (((1,), (1,)), ((), ())),
            preferred_element_type=jnp.float32)
        h = jnp.maximum(h, 0.0)
        h = h * h
        y = jax.lax.dot_general(
            h.astype(jnp.bfloat16), w2_ref[...], (((1,), (1,)), ((), ())),
            preferred_element_type=jnp.float32)
        rows = tid_ref[s] * TR + lax.broadcasted_iota(jnp.int32,
                                                      (TR, 1, 1), 0)
        m = (rows >= lo) & (rows < hi)
        y3 = pltpu.bitcast(
            y.reshape(TR, 16, 128).astype(jnp.bfloat16), jnp.int32)
        y_ref[...] = jnp.where(m, y3, y_ref[...])


def _shared_kernel(xb_ref, ws1_ref, ws2_ref, sh_ref):
    xb3 = pltpu.bitcast(xb_ref[...], jnp.bfloat16)
    xb = xb3.reshape(xb3.shape[0], 2048)
    h = jax.lax.dot_general(
        xb, ws1_ref[...], (((1,), (1,)), ((), ())),
        preferred_element_type=jnp.float32)
    h = jnp.maximum(h, 0.0)
    h = h * h
    sh_ref[...] = jax.lax.dot_general(
        h.astype(jnp.bfloat16), ws2_ref[...], (((1,), (1,)), ((), ())),
        preferred_element_type=jnp.float32)


def _combine_kernel(sh_ref, wa_ref, wb_ref, ga_ref, gb_ref, o_ref):
    sh = sh_ref[...]
    tb = sh.shape[0]
    ga = pltpu.bitcast(ga_ref[...],
                       jnp.bfloat16).reshape(tb, 2048).astype(jnp.float32)
    gb = pltpu.bitcast(gb_ref[...],
                       jnp.bfloat16).reshape(tb, 2048).astype(jnp.float32)
    o_ref[...] = sh + wa_ref[...] * ga + wb_ref[...] * gb


def kernel(hidden_tensor, router_w, w1_stack, w2_stack, shared_w1, shared_w2):
    B, T, C = hidden_tensor.shape
    F = w1_stack.shape[1]
    S = TOPK * T
    W = C // 2
    x = hidden_tensor.reshape(T, C)

    xb3, wa, wb, pa, pb, off8 = pl.pallas_call(
        _router_kernel,
        out_shape=(
            jax.ShapeDtypeStruct((T, 8, 128), jnp.int32),
            jax.ShapeDtypeStruct((T, 1), jnp.float32),
            jax.ShapeDtypeStruct((T, 1), jnp.float32),
            jax.ShapeDtypeStruct((T, 1), jnp.int32),
            jax.ShapeDtypeStruct((T, 1), jnp.int32),
            jax.ShapeDtypeStruct((1, E), jnp.int32),
        ),
    )(x, router_w)

    TB = 512
    NB = T // TB
    ws1 = shared_w1.astype(jnp.bfloat16)
    ws2 = shared_w2.astype(jnp.bfloat16)
    sh = pl.pallas_call(
        _shared_kernel,
        grid=(NB,),
        in_specs=[
            pl.BlockSpec((TB, 8, 128), lambda t: (t, 0, 0)),
            pl.BlockSpec((F, C), lambda t: (0, 0)),
            pl.BlockSpec((C, F), lambda t: (0, 0)),
        ],
        out_specs=pl.BlockSpec((TB, C), lambda t: (t, 0)),
        out_shape=jax.ShapeDtypeStruct((T, C), jnp.float32),
    )(xb3, ws1, ws2)

    pall = jnp.concatenate([pa[:, 0], pb[:, 0]])
    pall3 = pall.reshape(NW, (S // NW) // CHUNK, CHUNK)

    xs3 = _sc_dispatch(xb3, pall3)

    NT = S // TR
    STEPS = NT + E
    off = jnp.concatenate([off8.reshape(E),
                           jnp.array([S], dtype=jnp.int32)])
    start, end = off[:-1], off[1:]
    size = end - start
    t_first = start // TR
    t_last = jnp.where(size > 0, (end - 1) // TR, t_first)
    num_t = jnp.where(size > 0, t_last - t_first + 1, 0)
    sbase = jnp.concatenate([jnp.zeros((1,), jnp.int32),
                             jnp.cumsum(num_t)]).astype(jnp.int32)
    total = sbase[E]
    sarr = jnp.arange(STEPS, dtype=jnp.int32)
    gos = jnp.minimum(
        jnp.sum((sbase[1:][None, :] <= sarr[:, None]).astype(jnp.int32),
                axis=1), E - 1)
    tid = t_first[gos] + (sarr - sbase[:-1][gos])
    valid = sarr < total
    lo = start[gos]
    hi = jnp.where(valid, end[gos], lo)
    tid = jnp.where(valid, tid, NT - 1).astype(jnp.int32)
    gid = gos.astype(jnp.int32)

    w1b = w1_stack.astype(jnp.bfloat16)
    w2b = w2_stack.astype(jnp.bfloat16)
    grid_spec = pltpu.PrefetchScalarGridSpec(
        num_scalar_prefetch=4,
        grid=(STEPS,),
        in_specs=[
            pl.BlockSpec((TR, 8, 128),
                         lambda s, tid, gid, lo, hi: (tid[s], 0, 0)),
            pl.BlockSpec((None, F, C),
                         lambda s, tid, gid, lo, hi: (gid[s], 0, 0)),
            pl.BlockSpec((None, C, F),
                         lambda s, tid, gid, lo, hi: (gid[s], 0, 0)),
        ],
        out_specs=pl.BlockSpec((TR, 8, 128),
                               lambda s, tid, gid, lo, hi: (tid[s], 0, 0)),
    )
    y3 = pl.pallas_call(
        _gmm_kernel,
        grid_spec=grid_spec,
        out_shape=jax.ShapeDtypeStruct((S, 8, 128), jnp.int32),
    )(tid, gid, lo, hi, xs3, w1b, w2b)

    gall3 = _sc_combine(y3, pall3)

    out = pl.pallas_call(
        _combine_kernel,
        grid=(NB,),
        in_specs=[
            pl.BlockSpec((TB, C), lambda t: (t, 0)),
            pl.BlockSpec((TB, 1), lambda t: (t, 0)),
            pl.BlockSpec((TB, 1), lambda t: (t, 0)),
            pl.BlockSpec((TB, 8, 128), lambda t: (t, 0, 0)),
            pl.BlockSpec((TB, 8, 128), lambda t: (t + NB, 0, 0)),
        ],
        out_specs=pl.BlockSpec((TB, C), lambda t: (t, 0)),
        out_shape=jax.ShapeDtypeStruct((T, C), jnp.float32),
    )(sh, wa, wb, gall3, gall3)

    return out.reshape(B, T, C)

# --- scband reference (transcript-rebuilt; emitter-appended) ---
"""Pipeline reference for scband-mo-e-v3-original-43946105372957 (READ-ONLY COPY).

The authoritative reference and input builder live on the scoring server;
editing this copy changes nothing except your own understanding.
"""

import jax, jax.numpy as jnp
import numpy as np

N_EXPERTS = 8
TOP_K = 2
D_MODEL = 2048
D_FF = 1024
BATCH = 1
SEQ = 2048


def setup_inputs(seed: int = 0) -> dict:
    key = jax.random.key(seed)
    ks = jax.random.split(key, 6)
    hidden_tensor = jax.random.normal(ks[0], (BATCH, SEQ, D_MODEL), dtype=jnp.float32)
    router_w = jax.random.normal(ks[1], (N_EXPERTS, D_MODEL), dtype=jnp.float32) * 0.02
    w1_stack = jax.random.normal(ks[2], (N_EXPERTS, D_FF, D_MODEL), dtype=jnp.float32) * 0.02
    w2_stack = jax.random.normal(ks[3], (N_EXPERTS, D_MODEL, D_FF), dtype=jnp.float32) * 0.02
    shared_w1 = jax.random.normal(ks[4], (D_FF, D_MODEL), dtype=jnp.float32) * 0.02
    shared_w2 = jax.random.normal(ks[5], (D_MODEL, D_FF), dtype=jnp.float32) * 0.02
    return {
        'hidden_tensor': hidden_tensor,
        'router_w': router_w,
        'w1_stack': w1_stack,
        'w2_stack': w2_stack,
        'shared_w1': shared_w1,
        'shared_w2': shared_w2,
    }


def reference(hidden_tensor, router_w, w1_stack, w2_stack, shared_w1, shared_w2):
    B, T, C = hidden_tensor.shape
    residual = hidden_tensor
    x = hidden_tensor.reshape(-1, C)
    t_tokens = x.shape[0]

    # Router: softmax over expert logits, then top-k (NemotronRouter reconstruction)
    logits = x @ router_w.T
    probs = jax.nn.softmax(logits, axis=-1)
    exp_weight, exp_idx = jax.lax.top_k(probs, TOP_K)

    # moe_fwd: stable sort tokens by expert id, scatter into per-expert bins
    flat_expert_ids = exp_idx.reshape(-1)
    sort_order = jnp.argsort(flat_expert_ids, stable=True)
    sorted_expert_ids = flat_expert_ids[sort_order]
    flat_token_ids = jnp.repeat(jnp.arange(t_tokens), TOP_K)
    sorted_token_ids = flat_token_ids[sort_order]
    sorted_weights = exp_weight.reshape(-1)[sort_order]
    flat_expert_tokens = x[sorted_token_ids]

    expert_bin_count = jnp.bincount(sorted_expert_ids, length=N_EXPERTS)
    expert_offsets = jnp.concatenate([
        jnp.zeros((1,), dtype=expert_bin_count.dtype), jnp.cumsum(expert_bin_count)
    ])
    # static capacity (>= any per-expert count since top-k indices are distinct per token)
    cnt_max = t_tokens
    local_pos = jnp.arange(t_tokens * TOP_K) - expert_offsets[sorted_expert_ids]

    batched_input = jnp.zeros((N_EXPERTS, cnt_max, C), dtype=x.dtype)
    batched_input = batched_input.at[sorted_expert_ids, local_pos].set(flat_expert_tokens)

    inter = jnp.einsum('ecd,efd->ecf', batched_input, w1_stack)
    inter = jnp.square(jax.nn.relu(inter))
    batched_output = jnp.einsum('ecf,edf->ecd', inter, w2_stack)

    flat_hidden_output = batched_output[sorted_expert_ids, local_pos] * sorted_weights[:, None]
    final_output = jnp.zeros_like(x).at[sorted_token_ids].add(flat_hidden_output)
    moe_out = final_output.reshape(B, T, C)

    # shared expert (relu^2 MLP, same activation as routed experts)
    shared = jnp.square(jax.nn.relu(residual.reshape(-1, C) @ shared_w1.T)) @ shared_w2.T
    return moe_out + shared.reshape(B, T, C)

if __name__ == "__main__":
    import jax
    _d = setup_inputs()
    print(jax.jit(kernel)(*tuple(_d.values())))

</pallas_src>

<mosaic_0001>
#map = affine_map<(d0, d1) -> (0, 0, 0)>
module attributes {stable_mosaic.version = 14 : i64} {
  func.func @k(%arg0: i32, %arg1: i32, %arg2: memref<4096x8x128xi32, #tpu.memory_space<hbm>>, %arg3: memref<32x4x32xi32, #tpu.memory_space<hbm>>, %arg4: memref<4096x8x128xi32, #tpu.memory_space<hbm>>, %arg5: memref<4x32xi32, #tpu.memory_space<vmem>>, %arg6: memref<32x8x128xi32, #tpu.memory_space<vmem>>, %arg7: memref<!tpu.dma_semaphore, #tpu.memory_space<semaphore_mem>>) attributes {dimension_semantics = [#tpu.dimension_semantics<core_parallel>, #tpu.dimension_semantics<subcore_parallel>], iteration_bounds = array<i64: 2, 16>, scalar_prefetch = 0 : i64, scratch_operands = 3 : i64, tpu.core_type = #tpu.core_type<sc_vector_subcore>, window_params = [{transform_indices = #map}, {transform_indices = #map}, {transform_indices = #map}]} {
    %mul3A = arith.constant 2 : i32
    %mul3A_0 = arith.muli %arg1, %mul3A : i32
    %add3A = arith.addi %mul3A_0, %arg0 : i32
    "tpu.region"() ({
      %run_scoped3A = tpu.sem_alloc : memref<!tpu.dma_semaphore, #tpu.memory_space<semaphore_mem>>
      %dma_start3A_73 = arith.constant 0 : i32
      %dma_start3A_74 = arith.constant 0 : i32
      %dma_start3A_75 = tpu.memref_slice %arg3[%add3A, %dma_start3A_73, %dma_start3A_74] : memref<32x4x32xi32, #tpu.memory_space<hbm>> -> memref<1x4x32xi32, #tpu.memory_space<hbm>>
      %dma_start3A_76 = tpu.memref_squeeze %dma_start3A_75 : memref<1x4x32xi32, #tpu.memory_space<hbm>> -> memref<4x32xi32, #tpu.memory_space<hbm>>
      %dma_start3A_77 = arith.constant 0 : i32
      %dma_start3A_78 = arith.constant 0 : i32
      %dma_start3A_79 = tpu.memref_slice %arg3[%add3A, %dma_start3A_77, %dma_start3A_78] : memref<32x4x32xi32, #tpu.memory_space<hbm>> -> memref<1x4x32xi32, #tpu.memory_space<hbm>>
      %dma_start3A_80 = tpu.memref_squeeze %dma_start3A_79 : memref<1x4x32xi32, #tpu.memory_space<hbm>> -> memref<4x32xi32, #tpu.memory_space<hbm>>
      tpu.enqueue_dma source(%dma_start3A_80 : memref<4x32xi32, #tpu.memory_space<hbm>>) target(%arg5 : memref<4x32xi32, #tpu.memory_space<vmem>>) target_semaphore(%run_scoped3A : memref<!tpu.dma_semaphore, #tpu.memory_space<semaphore_mem>>)
      %dma_wait3A_81 = arith.constant 0 : i32
      %dma_wait3A_82 = arith.constant 0 : i32
      %dma_wait3A_83 = tpu.memref_slice %arg3[%add3A, %dma_wait3A_81, %dma_wait3A_82] : memref<32x4x32xi32, #tpu.memory_space<hbm>> -> memref<1x4x32xi32, #tpu.memory_space<hbm>>
      %dma_wait3A_84 = tpu.memref_squeeze %dma_wait3A_83 : memref<1x4x32xi32, #tpu.memory_space<hbm>> -> memref<4x32xi32, #tpu.memory_space<hbm>>
      %dma_wait3A_85 = arith.constant 0 : i32
      %dma_wait3A_86 = arith.constant 0 : i32
      %dma_wait3A_87 = tpu.memref_slice %arg3[%add3A, %dma_wait3A_85, %dma_wait3A_86] : memref<32x4x32xi32, #tpu.memory_space<hbm>> -> memref<1x4x32xi32, #tpu.memory_space<hbm>>
      %dma_wait3A_88 = tpu.memref_squeeze %dma_wait3A_87 : memref<1x4x32xi32, #tpu.memory_space<hbm>> -> memref<4x32xi32, #tpu.memory_space<hbm>>
      tpu.wait_dma2 semaphore(%run_scoped3A : memref<!tpu.dma_semaphore, #tpu.memory_space<semaphore_mem>>) src(%dma_wait3A_88 : memref<4x32xi32, #tpu.memory_space<hbm>>) dst(%arg5 : memref<4x32xi32, #tpu.memory_space<vmem>>)
      tpu.yield
    }) : () -> ()
    %mul3A_1 = arith.constant 128 : i32
    %mul3A_2 = arith.muli %add3A, %mul3A_1 : i32
    %dma_start3A = arith.constant 0 : i32
    %dma_start3A_3 = arith.constant 0 : i32
    %dma_start3A_4 = tpu.memref_slice %arg5[%dma_start3A, %dma_start3A_3] : memref<4x32xi32, #tpu.memory_space<vmem>> -> memref<1x32xi32, #tpu.memory_space<vmem>>
    %dma_start3A_5 = tpu.memref_squeeze %dma_start3A_4 : memref<1x32xi32, #tpu.memory_space<vmem>> -> memref<32xi32, #tpu.memory_space<vmem>>
    %dma_start3A_6 = arith.constant 0 : i32
    %dma_start3A_7 = arith.constant 0 : i32
    %dma_start3A_8 = arith.constant 0 : i32
    %dma_start3A_9 = tpu.memref_slice %arg2[%dma_start3A_6, %dma_start3A_7, %dma_start3A_8] : memref<4096x8x128xi32, #tpu.memory_space<hbm>> -> memref<4096x8x128xi32, #tpu.memory_space<hbm>>
    tpu.enqueue_indirect_dma source(%dma_start3A_9 : memref<4096x8x128xi32, #tpu.memory_space<hbm>>) target(%arg6 : memref<32x8x128xi32, #tpu.memory_space<vmem>>) offsets(%dma_start3A_5 : memref<32xi32, #tpu.memory_space<vmem>>) semaphore(%arg7 : memref<!tpu.dma_semaphore, #tpu.memory_space<semaphore_mem>>)
    %dma_wait3A = arith.constant 0 : i32
    %dma_wait3A_10 = arith.constant 0 : i32
    %dma_wait3A_11 = tpu.memref_slice %arg5[%dma_wait3A, %dma_wait3A_10] : memref<4x32xi32, #tpu.memory_space<vmem>> -> memref<1x32xi32, #tpu.memory_space<vmem>>
    %dma_wait3A_12 = tpu.memref_squeeze %dma_wait3A_11 : memref<1x32xi32, #tpu.memory_space<vmem>> -> memref<32xi32, #tpu.memory_space<vmem>>
    %dma_wait3A_13 = arith.constant 0 : i32
    %dma_wait3A_14 = arith.constant 0 : i32
    %dma_wait3A_15 = arith.constant 0 : i32
    %dma_wait3A_16 = tpu.memref_slice %arg2[%dma_wait3A_13, %dma_wait3A_14, %dma_wait3A_15] : memref<4096x8x128xi32, #tpu.memory_space<hbm>> -> memref<4096x8x128xi32, #tpu.memory_space<hbm>>
    tpu.wait_indirect_dma semaphore(%arg7 : memref<!tpu.dma_semaphore, #tpu.memory_space<semaphore_mem>>) src(%dma_wait3A_16 : memref<4096x8x128xi32, #tpu.memory_space<hbm>>) dst(%arg6 : memref<32x8x128xi32, #tpu.memory_space<vmem>>)
    %add3A_17 = arith.constant 0 : i32
    %add3A_18 = arith.addi %mul3A_2, %add3A_17 : i32
    "tpu.region"() ({
      %run_scoped3A = tpu.sem_alloc : memref<!tpu.dma_semaphore, #tpu.memory_space<semaphore_mem>>
      %dma_start3A_73 = arith.constant 0 : i32
      %dma_start3A_74 = arith.constant 0 : i32
      %dma_start3A_75 = tpu.memref_slice %arg4[%add3A_18, %dma_start3A_73, %dma_start3A_74] : memref<4096x8x128xi32, #tpu.memory_space<hbm>> -> memref<32x8x128xi32, #tpu.memory_space<hbm>>
      %dma_start3A_76 = arith.constant 0 : i32
      %dma_start3A_77 = arith.constant 0 : i32
      %dma_start3A_78 = tpu.memref_slice %arg4[%add3A_18, %dma_start3A_76, %dma_start3A_77] : memref<4096x8x128xi32, #tpu.memory_space<hbm>> -> memref<32x8x128xi32, #tpu.memory_space<hbm>>
      tpu.enqueue_dma source(%arg6 : memref<32x8x128xi32, #tpu.memory_space<vmem>>) target(%dma_start3A_78 : memref<32x8x128xi32, #tpu.memory_space<hbm>>) target_semaphore(%run_scoped3A : memref<!tpu.dma_semaphore, #tpu.memory_space<semaphore_mem>>)
      %dma_wait3A_79 = arith.constant 0 : i32
      %dma_wait3A_80 = arith.constant 0 : i32
      %dma_wait3A_81 = tpu.memref_slice %arg4[%add3A_18, %dma_wait3A_79, %dma_wait3A_80] : memref<4096x8x128xi32, #tpu.memory_space<hbm>> -> memref<32x8x128xi32, #tpu.memory_space<hbm>>
      %dma_wait3A_82 = arith.constant 0 : i32
      %dma_wait3A_83 = arith.constant 0 : i32
      %dma_wait3A_84 = tpu.memref_slice %arg4[%add3A_18, %dma_wait3A_82, %dma_wait3A_83] : memref<4096x8x128xi32, #tpu.memory_space<hbm>> -> memref<32x8x128xi32, #tpu.memory_space<hbm>>
      tpu.wait_dma2 semaphore(%run_scoped3A : memref<!tpu.dma_semaphore, #tpu.memory_space<semaphore_mem>>) src(%arg6 : memref<32x8x128xi32, #tpu.memory_space<vmem>>) dst(%dma_wait3A_84 : memref<32x8x128xi32, #tpu.memory_space<hbm>>)
      tpu.yield
    }) : () -> ()
    %dma_start3A_19 = arith.constant 1 : i32
    %dma_start3A_20 = arith.constant 0 : i32
    %dma_start3A_21 = tpu.memref_slice %arg5[%dma_start3A_19, %dma_start3A_20] : memref<4x32xi32, #tpu.memory_space<vmem>> -> memref<1x32xi32, #tpu.memory_space<vmem>>
    %dma_start3A_22 = tpu.memref_squeeze %dma_start3A_21 : memref<1x32xi32, #tpu.memory_space<vmem>> -> memref<32xi32, #tpu.memory_space<vmem>>
    %dma_start3A_23 = arith.constant 0 : i32
    %dma_start3A_24 = arith.constant 0 : i32
    %dma_start3A_25 = arith.constant 0 : i32
    %dma_start3A_26 = tpu.memref_slice %arg2[%dma_start3A_23, %dma_start3A_24, %dma_start3A_25] : memref<4096x8x128xi32, #tpu.memory_space<hbm>> -> memref<4096x8x128xi32, #tpu.memory_space<hbm>>
    tpu.enqueue_indirect_dma source(%dma_start3A_26 : memref<4096x8x128xi32, #tpu.memory_space<hbm>>) target(%arg6 : memref<32x8x128xi32, #tpu.memory_space<vmem>>) offsets(%dma_start3A_22 : memref<32xi32, #tpu.memory_space<vmem>>) semaphore(%arg7 : memref<!tpu.dma_semaphore, #tpu.memory_space<semaphore_mem>>)
    %dma_wait3A_27 = arith.constant 1 : i32
    %dma_wait3A_28 = arith.constant 0 : i32
    %dma_wait3A_29 = tpu.memref_slice %arg5[%dma_wait3A_27, %dma_wait3A_28] : memref<4x32xi32, #tpu.memory_space<vmem>> -> memref<1x32xi32, #tpu.memory_space<vmem>>
    %dma_wait3A_30 = tpu.memref_squeeze %dma_wait3A_29 : memref<1x32xi32, #tpu.memory_space<vmem>> -> memref<32xi32, #tpu.memory_space<vmem>>
    %dma_wait3A_31 = arith.constant 0 : i32
    %dma_wait3A_32 = arith.constant 0 : i32
    %dma_wait3A_33 = arith.constant 0 : i32
    %dma_wait3A_34 = tpu.memref_slice %arg2[%dma_wait3A_31, %dma_wait3A_32, %dma_wait3A_33] : memref<4096x8x128xi32, #tpu.memory_space<hbm>> -> memref<4096x8x128xi32, #tpu.memory_space<hbm>>
    tpu.wait_indirect_dma semaphore(%arg7 : memref<!tpu.dma_semaphore, #tpu.memory_space<semaphore_mem>>) src(%dma_wait3A_34 : memref<4096x8x128xi32, #tpu.memory_space<hbm>>) dst(%arg6 : memref<32x8x128xi32, #tpu.memory_space<vmem>>)
    %add3A_35 = arith.constant 32 : i32
    %add3A_36 = arith.addi %mul3A_2, %add3A_35 : i32
    "tpu.region"() ({
      %run_scoped3A = tpu.sem_alloc : memref<!tpu.dma_semaphore, #tpu.memory_space<semaphore_mem>>
      %dma_start3A_73 = arith.constant 0 : i32
      %dma_start3A_74 = arith.constant 0 : i32
      %dma_start3A_75 = tpu.memref_slice %arg4[%add3A_36, %dma_start3A_73, %dma_start3A_74] : memref<4096x8x128xi32, #tpu.memory_space<hbm>> -> memref<32x8x128xi32, #tpu.memory_space<hbm>>
      %dma_start3A_76 = arith.constant 0 : i32
      %dma_start3A_77 = arith.constant 0 : i32
      %dma_start3A_78 = tpu.memref_slice %arg4[%add3A_36, %dma_start3A_76, %dma_start3A_77] : memref<4096x8x128xi32, #tpu.memory_space<hbm>> -> memref<32x8x128xi32, #tpu.memory_space<hbm>>
      tpu.enqueue_dma source(%arg6 : memref<32x8x128xi32, #tpu.memory_space<vmem>>) target(%dma_start3A_78 : memref<32x8x128xi32, #tpu.memory_space<hbm>>) target_semaphore(%run_scoped3A : memref<!tpu.dma_semaphore, #tpu.memory_space<semaphore_mem>>)
      %dma_wait3A_79 = arith.constant 0 : i32
      %dma_wait3A_80 = arith.constant 0 : i32
      %dma_wait3A_81 = tpu.memref_slice %arg4[%add3A_36, %dma_wait3A_79, %dma_wait3A_80] : memref<4096x8x128xi32, #tpu.memory_space<hbm>> -> memref<32x8x128xi32, #tpu.memory_space<hbm>>
      %dma_wait3A_82 = arith.constant 0 : i32
      %dma_wait3A_83 = arith.constant 0 : i32
      %dma_wait3A_84 = tpu.memref_slice %arg4[%add3A_36, %dma_wait3A_82, %dma_wait3A_83] : memref<4096x8x128xi32, #tpu.memory_space<hbm>> -> memref<32x8x128xi32, #tpu.memory_space<hbm>>
      tpu.wait_dma2 semaphore(%run_scoped3A : memref<!tpu.dma_semaphore, #tpu.memory_space<semaphore_mem>>) src(%arg6 : memref<32x8x128xi32, #tpu.memory_space<vmem>>) dst(%dma_wait3A_84 : memref<32x8x128xi32, #tpu.memory_space<hbm>>)
      tpu.yield
    }) : () -> ()
    %dma_start3A_37 = arith.constant 2 : i32
    %dma_start3A_38 = arith.constant 0 : i32
    %dma_start3A_39 = tpu.memref_slice %arg5[%dma_start3A_37, %dma_start3A_38] : memref<4x32xi32, #tpu.memory_space<vmem>> -> memref<1x32xi32, #tpu.memory_space<vmem>>
    %dma_start3A_40 = tpu.memref_squeeze %dma_start3A_39 : memref<1x32xi32, #tpu.memory_space<vmem>> -> memref<32xi32, #tpu.memory_space<vmem>>
    %dma_start3A_41 = arith.constant 0 : i32
    %dma_start3A_42 = arith.constant 0 : i32
    %dma_start3A_43 = arith.constant 0 : i32
    %dma_start3A_44 = tpu.memref_slice %arg2[%dma_start3A_41, %dma_start3A_42, %dma_start3A_43] : memref<4096x8x128xi32, #tpu.memory_space<hbm>> -> memref<4096x8x128xi32, #tpu.memory_space<hbm>>
    tpu.enqueue_indirect_dma source(%dma_start3A_44 : memref<4096x8x128xi32, #tpu.memory_space<hbm>>) target(%arg6 : memref<32x8x128xi32, #tpu.memory_space<vmem>>) offsets(%dma_start3A_40 : memref<32xi32, #tpu.memory_space<vmem>>) semaphore(%arg7 : memref<!tpu.dma_semaphore, #tpu.memory_space<semaphore_mem>>)
    %dma_wait3A_45 = arith.constant 2 : i32
    %dma_wait3A_46 = arith.constant 0 : i32
    %dma_wait3A_47 = tpu.memref_slice %arg5[%dma_wait3A_45, %dma_wait3A_46] : memref<4x32xi32, #tpu.memory_space<vmem>> -> memref<1x32xi32, #tpu.memory_space<vmem>>
    %dma_wait3A_48 = tpu.memref_squeeze %dma_wait3A_47 : memref<1x32xi32, #tpu.memory_space<vmem>> -> memref<32xi32, #tpu.memory_space<vmem>>
    %dma_wait3A_49 = arith.constant 0 : i32
    %dma_wait3A_50 = arith.constant 0 : i32
    %dma_wait3A_51 = arith.constant 0 : i32
    %dma_wait3A_52 = tpu.memref_slice %arg2[%dma_wait3A_49, %dma_wait3A_50, %dma_wait3A_51] : memref<4096x8x128xi32, #tpu.memory_space<hbm>> -> memref<4096x8x128xi32, #tpu.memory_space<hbm>>
    tpu.wait_indirect_dma semaphore(%arg7 : memref<!tpu.dma_semaphore, #tpu.memory_space<semaphore_mem>>) src(%dma_wait3A_52 : memref<4096x8x128xi32, #tpu.memory_space<hbm>>) dst(%arg6 : memref<32x8x128xi32, #tpu.memory_space<vmem>>)
    %add3A_53 = arith.constant 64 : i32
    %add3A_54 = arith.addi %mul3A_2, %add3A_53 : i32
    "tpu.region"() ({
      %run_scoped3A = tpu.sem_alloc : memref<!tpu.dma_semaphore, #tpu.memory_space<semaphore_mem>>
      %dma_start3A_73 = arith.constant 0 : i32
      %dma_start3A_74 = arith.constant 0 : i32
      %dma_start3A_75 = tpu.memref_slice %arg4[%add3A_54, %dma_start3A_73, %dma_start3A_74] : memref<4096x8x128xi32, #tpu.memory_space<hbm>> -> memref<32x8x128xi32, #tpu.memory_space<hbm>>
      %dma_start3A_76 = arith.constant 0 : i32
      %dma_start3A_77 = arith.constant 0 : i32
      %dma_start3A_78 = tpu.memref_slice %arg4[%add3A_54, %dma_start3A_76, %dma_start3A_77] : memref<4096x8x128xi32, #tpu.memory_space<hbm>> -> memref<32x8x128xi32, #tpu.memory_space<hbm>>
      tpu.enqueue_dma source(%arg6 : memref<32x8x128xi32, #tpu.memory_space<vmem>>) target(%dma_start3A_78 : memref<32x8x128xi32, #tpu.memory_space<hbm>>) target_semaphore(%run_scoped3A : memref<!tpu.dma_semaphore, #tpu.memory_space<semaphore_mem>>)
      %dma_wait3A_79 = arith.constant 0 : i32
      %dma_wait3A_80 = arith.constant 0 : i32
      %dma_wait3A_81 = tpu.memref_slice %arg4[%add3A_54, %dma_wait3A_79, %dma_wait3A_80] : memref<4096x8x128xi32, #tpu.memory_space<hbm>> -> memref<32x8x128xi32, #tpu.memory_space<hbm>>
      %dma_wait3A_82 = arith.constant 0 : i32
      %dma_wait3A_83 = arith.constant 0 : i32
      %dma_wait3A_84 = tpu.memref_slice %arg4[%add3A_54, %dma_wait3A_82, %dma_wait3A_83] : memref<4096x8x128xi32, #tpu.memory_space<hbm>> -> memref<32x8x128xi32, #tpu.memory_space<hbm>>
      tpu.wait_dma2 semaphore(%run_scoped3A : memref<!tpu.dma_semaphore, #tpu.memory_space<semaphore_mem>>) src(%arg6 : memref<32x8x128xi32, #tpu.memory_space<vmem>>) dst(%dma_wait3A_84 : memref<32x8x128xi32, #tpu.memory_space<hbm>>)
      tpu.yield
    }) : () -> ()
    %dma_start3A_55 = arith.constant 3 : i32
    %dma_start3A_56 = arith.constant 0 : i32
    %dma_start3A_57 = tpu.memref_slice %arg5[%dma_start3A_55, %dma_start3A_56] : memref<4x32xi32, #tpu.memory_space<vmem>> -> memref<1x32xi32, #tpu.memory_space<vmem>>
    %dma_start3A_58 = tpu.memref_squeeze %dma_start3A_57 : memref<1x32xi32, #tpu.memory_space<vmem>> -> memref<32xi32, #tpu.memory_space<vmem>>
    %dma_start3A_59 = arith.constant 0 : i32
    %dma_start3A_60 = arith.constant 0 : i32
    %dma_start3A_61 = arith.constant 0 : i32
    %dma_start3A_62 = tpu.memref_slice %arg2[%dma_start3A_59, %dma_start3A_60, %dma_start3A_61] : memref<4096x8x128xi32, #tpu.memory_space<hbm>> -> memref<4096x8x128xi32, #tpu.memory_space<hbm>>
    tpu.enqueue_indirect_dma source(%dma_start3A_62 : memref<4096x8x128xi32, #tpu.memory_space<hbm>>) target(%arg6 : memref<32x8x128xi32, #tpu.memory_space<vmem>>) offsets(%dma_start3A_58 : memref<32xi32, #tpu.memory_space<vmem>>) semaphore(%arg7 : memref<!tpu.dma_semaphore, #tpu.memory_space<semaphore_mem>>)
    %dma_wait3A_63 = arith.constant 3 : i32
    %dma_wait3A_64 = arith.constant 0 : i32
    %dma_wait3A_65 = tpu.memref_slice %arg5[%dma_wait3A_63, %dma_wait3A_64] : memref<4x32xi32, #tpu.memory_space<vmem>> -> memref<1x32xi32, #tpu.memory_space<vmem>>
    %dma_wait3A_66 = tpu.memref_squeeze %dma_wait3A_65 : memref<1x32xi32, #tpu.memory_space<vmem>> -> memref<32xi32, #tpu.memory_space<vmem>>
    %dma_wait3A_67 = arith.constant 0 : i32
    %dma_wait3A_68 = arith.constant 0 : i32
    %dma_wait3A_69 = arith.constant 0 : i32
    %dma_wait3A_70 = tpu.memref_slice %arg2[%dma_wait3A_67, %dma_wait3A_68, %dma_wait3A_69] : memref<4096x8x128xi32, #tpu.memory_space<hbm>> -> memref<4096x8x128xi32, #tpu.memory_space<hbm>>
    tpu.wait_indirect_dma semaphore(%arg7 : memref<!tpu.dma_semaphore, #tpu.memory_space<semaphore_mem>>) src(%dma_wait3A_70 : memref<4096x8x128xi32, #tpu.memory_space<hbm>>) dst(%arg6 : memref<32x8x128xi32, #tpu.memory_space<vmem>>)
    %add3A_71 = arith.constant 96 : i32
    %add3A_72 = arith.addi %mul3A_2, %add3A_71 : i32
    "tpu.region"() ({
      %run_scoped3A = tpu.sem_alloc : memref<!tpu.dma_semaphore, #tpu.memory_space<semaphore_mem>>
      %dma_start3A_73 = arith.constant 0 : i32
      %dma_start3A_74 = arith.constant 0 : i32
      %dma_start3A_75 = tpu.memref_slice %arg4[%add3A_72, %dma_start3A_73, %dma_start3A_74] : memref<4096x8x128xi32, #tpu.memory_space<hbm>> -> memref<32x8x128xi32, #tpu.memory_space<hbm>>
      %dma_start3A_76 = arith.constant 0 : i32
      %dma_start3A_77 = arith.constant 0 : i32
      %dma_start3A_78 = tpu.memref_slice %arg4[%add3A_72, %dma_start3A_76, %dma_start3A_77] : memref<4096x8x128xi32, #tpu.memory_space<hbm>> -> memref<32x8x128xi32, #tpu.memory_space<hbm>>
      tpu.enqueue_dma source(%arg6 : memref<32x8x128xi32, #tpu.memory_space<vmem>>) target(%dma_start3A_78 : memref<32x8x128xi32, #tpu.memory_space<hbm>>) target_semaphore(%run_scoped3A : memref<!tpu.dma_semaphore, #tpu.memory_space<semaphore_mem>>)
      %dma_wait3A_79 = arith.constant 0 : i32
      %dma_wait3A_80 = arith.constant 0 : i32
      %dma_wait3A_81 = tpu.memref_slice %arg4[%add3A_72, %dma_wait3A_79, %dma_wait3A_80] : memref<4096x8x128xi32, #tpu.memory_space<hbm>> -> memref<32x8x128xi32, #tpu.memory_space<hbm>>
      %dma_wait3A_82 = arith.constant 0 : i32
      %dma_wait3A_83 = arith.constant 0 : i32
      %dma_wait3A_84 = tpu.memref_slice %arg4[%add3A_72, %dma_wait3A_82, %dma_wait3A_83] : memref<4096x8x128xi32, #tpu.memory_space<hbm>> -> memref<32x8x128xi32, #tpu.memory_space<hbm>>
      tpu.wait_dma2 semaphore(%run_scoped3A : memref<!tpu.dma_semaphore, #tpu.memory_space<semaphore_mem>>) src(%arg6 : memref<32x8x128xi32, #tpu.memory_space<vmem>>) dst(%dma_wait3A_84 : memref<32x8x128xi32, #tpu.memory_space<hbm>>)
      tpu.yield
    }) : () -> ()
    return
  }
}

#map = affine_map<(d0, d1) -> (0, 0, 0)>
module attributes {stable_mosaic.version = 14 : i64} {
  func.func @k(%arg0: i32, %arg1: i32, %arg2: memref<2048x8x128xi32, #tpu.memory_space<hbm>>, %arg3: memref<32x4x32xi32, #tpu.memory_space<hbm>>, %arg4: memref<4096x8x128xi32, #tpu.memory_space<hbm>>, %arg5: memref<4x32xi32, #tpu.memory_space<vmem>>, %arg6: memref<32x8x128xi32, #tpu.memory_space<vmem>>, %arg7: memref<!tpu.dma_semaphore, #tpu.memory_space<semaphore_mem>>) attributes {dimension_semantics = [#tpu.dimension_semantics<core_parallel>, #tpu.dimension_semantics<subcore_parallel>], iteration_bounds = array<i64: 2, 16>, scalar_prefetch = 0 : i64, scratch_operands = 3 : i64, tpu.core_type = #tpu.core_type<sc_vector_subcore>, window_params = [{transform_indices = #map}, {transform_indices = #map}, {transform_indices = #map}]} {
    %mul3A = arith.constant 2 : i32
    %mul3A_0 = arith.muli %arg1, %mul3A : i32
    %add3A = arith.addi %mul3A_0, %arg0 : i32
    "tpu.region"() ({
      %run_scoped3A = tpu.sem_alloc : memref<!tpu.dma_semaphore, #tpu.memory_space<semaphore_mem>>
      %dma_start3A_82 = arith.constant 0 : i32
      %dma_start3A_83 = arith.constant 0 : i32
      %dma_start3A_84 = tpu.memref_slice %arg3[%add3A, %dma_start3A_82, %dma_start3A_83] : memref<32x4x32xi32, #tpu.memory_space<hbm>> -> memref<1x4x32xi32, #tpu.memory_space<hbm>>
      %dma_start3A_85 = tpu.memref_squeeze %dma_start3A_84 : memref<1x4x32xi32, #tpu.memory_space<hbm>> -> memref<4x32xi32, #tpu.memory_space<hbm>>
      %dma_start3A_86 = arith.constant 0 : i32
      %dma_start3A_87 = arith.constant 0 : i32
      %dma_start3A_88 = tpu.memref_slice %arg3[%add3A, %dma_start3A_86, %dma_start3A_87] : memref<32x4x32xi32, #tpu.memory_space<hbm>> -> memref<1x4x32xi32, #tpu.memory_space<hbm>>
      %dma_start3A_89 = tpu.memref_squeeze %dma_start3A_88 : memref<1x4x32xi32, #tpu.memory_space<hbm>> -> memref<4x32xi32, #tpu.memory_space<hbm>>
      tpu.enqueue_dma source(%dma_start3A_89 : memref<4x32xi32, #tpu.memory_space<hbm>>) target(%arg5 : memref<4x32xi32, #tpu.memory_space<vmem>>) target_semaphore(%run_scoped3A : memref<!tpu.dma_semaphore, #tpu.memory_space<semaphore_mem>>)
      %dma_wait3A_90 = arith.constant 0 : i32
      %dma_wait3A_91 = arith.constant 0 : i32
      %dma_wait3A_92 = tpu.memref_slice %arg3[%add3A, %dma_wait3A_90, %dma_wait3A_91] : memref<32x4x32xi32, #tpu.memory_space<hbm>> -> memref<1x4x32xi32, #tpu.memory_space<hbm>>
      %dma_wait3A_93 = tpu.memref_squeeze %dma_wait3A_92 : memref<1x4x32xi32, #tpu.memory_space<hbm>> -> memref<4x32xi32, #tpu.memory_space<hbm>>
      %dma_wait3A_94 = arith.constant 0 : i32
      %dma_wait3A_95 = arith.constant 0 : i32
      %dma_wait3A_96 = tpu.memref_slice %arg3[%add3A, %dma_wait3A_94, %dma_wait3A_95] : memref<32x4x32xi32, #tpu.memory_space<hbm>> -> memref<1x4x32xi32, #tpu.memory_space<hbm>>
      %dma_wait3A_97 = tpu.memref_squeeze %dma_wait3A_96 : memref<1x4x32xi32, #tpu.memory_space<hbm>> -> memref<4x32xi32, #tpu.memory_space<hbm>>
      tpu.wait_dma2 semaphore(%run_scoped3A : memref<!tpu.dma_semaphore, #tpu.memory_space<semaphore_mem>>) src(%dma_wait3A_97 : memref<4x32xi32, #tpu.memory_space<hbm>>) dst(%arg5 : memref<4x32xi32, #tpu.memory_space<vmem>>)
      tpu.yield
    }) : () -> ()
    %jit3A = arith.constant 16 : i32
    %eq3A = arith.constant 0 : i32
    %eq3A_1 = arith.cmpi eq, %jit3A, %eq3A : i32
    %jit3A_2 = arith.constant 1 : i32
    %select_n3A = arith.select %eq3A_1, %jit3A_2, %jit3A : i32
    %rem3A = arith.remsi %add3A, %select_n3A : i32
    %ne3A = arith.constant 0 : i32
    %ne3A_3 = arith.cmpi ne, %rem3A, %ne3A : i32
    %lt3A = arith.constant 0 : i32
    %lt3A_4 = arith.cmpi slt, %rem3A, %lt3A : i32
    %lt3A_5 = arith.constant 0 : i32
    %lt3A_6 = arith.cmpi slt, %select_n3A, %lt3A_5 : i32
    %ne3A_7 = arith.xori %lt3A_4, %lt3A_6 : i1
    %and3A = arith.andi %ne3A_7, %ne3A_3 : i1
    %add3A_8 = arith.addi %rem3A, %select_n3A : i32
    %select_n3A_9 = arith.select %and3A, %add3A_8, %rem3A : i32
    %mul3A_10 = arith.constant 128 : i32
    %mul3A_11 = arith.muli %select_n3A_9, %mul3A_10 : i32
    %add3A_12 = arith.constant 0 : i32
    %add3A_13 = arith.addi %mul3A_11, %add3A_12 : i32
    "tpu.region"() ({
      %run_scoped3A = tpu.sem_alloc : memref<!tpu.dma_semaphore, #tpu.memory_space<semaphore_mem>>
      %dma_start3A_82 = arith.constant 0 : i32
      %dma_start3A_83 = arith.constant 0 : i32
      %dma_start3A_84 = tpu.memref_slice %arg2[%add3A_13, %dma_start3A_82, %dma_start3A_83] : memref<2048x8x128xi32, #tpu.memory_space<hbm>> -> memref<32x8x128xi32, #tpu.memory_space<hbm>>
      %dma_start3A_85 = arith.constant 0 : i32
      %dma_start3A_86 = arith.constant 0 : i32
      %dma_start3A_87 = tpu.memref_slice %arg2[%add3A_13, %dma_start3A_85, %dma_start3A_86] : memref<2048x8x128xi32, #tpu.memory_space<hbm>> -> memref<32x8x128xi32, #tpu.memory_space<hbm>>
      tpu.enqueue_dma source(%dma_start3A_87 : memref<32x8x128xi32, #tpu.memory_space<hbm>>) target(%arg6 : memref<32x8x128xi32, #tpu.memory_space<vmem>>) target_semaphore(%run_scoped3A : memref<!tpu.dma_semaphore, #tpu.memory_space<semaphore_mem>>)
      %dma_wait3A_88 = arith.constant 0 : i32
      %dma_wait3A_89 = arith.constant 0 : i32
      %dma_wait3A_90 = tpu.memref_slice %arg2[%add3A_13, %dma_wait3A_88, %dma_wait3A_89] : memref<2048x8x128xi32, #tpu.memory_space<hbm>> -> memref<32x8x128xi32, #tpu.memory_space<hbm>>
      %dma_wait3A_91 = arith.constant 0 : i32
      %dma_wait3A_92 = arith.constant 0 : i32
      %dma_wait3A_93 = tpu.memref_slice %arg2[%add3A_13, %dma_wait3A_91, %dma_wait3A_92] : memref<2048x8x128xi32, #tpu.memory_space<hbm>> -> memref<32x8x128xi32, #tpu.memory_space<hbm>>
      tpu.wait_dma2 semaphore(%run_scoped3A : memref<!tpu.dma_semaphore, #tpu.memory_space<semaphore_mem>>) src(%dma_wait3A_93 : memref<32x8x128xi32, #tpu.memory_space<hbm>>) dst(%arg6 : memref<32x8x128xi32, #tpu.memory_space<vmem>>)
      tpu.yield
    }) : () -> ()
    %dma_start3A = arith.constant 0 : i32
    %dma_start3A_14 = arith.constant 0 : i32
    %dma_start3A_15 = tpu.memref_slice %arg5[%dma_start3A, %dma_start3A_14] : memref<4x32xi32, #tpu.memory_space<vmem>> -> memref<1x32xi32, #tpu.memory_space<vmem>>
    %dma_start3A_16 = tpu.memref_squeeze %dma_start3A_15 : memref<1x32xi32, #tpu.memory_space<vmem>> -> memref<32xi32, #tpu.memory_space<vmem>>
    %dma_start3A_17 = arith.constant 0 : i32
    %dma_start3A_18 = arith.constant 0 : i32
    %dma_start3A_19 = arith.constant 0 : i32
    %dma_start3A_20 = tpu.memref_slice %arg4[%dma_start3A_17, %dma_start3A_18, %dma_start3A_19] : memref<4096x8x128xi32, #tpu.memory_space<hbm>> -> memref<4096x8x128xi32, #tpu.memory_space<hbm>>
    tpu.enqueue_indirect_dma source(%arg6 : memref<32x8x128xi32, #tpu.memory_space<vmem>>) target(%dma_start3A_20 : memref<4096x8x128xi32, #tpu.memory_space<hbm>>) offsets(%dma_start3A_16 : memref<32xi32, #tpu.memory_space<vmem>>) semaphore(%arg7 : memref<!tpu.dma_semaphore, #tpu.memory_space<semaphore_mem>>)
    %dma_wait3A = arith.constant 0 : i32
    %dma_wait3A_21 = arith.constant 0 : i32
    %dma_wait3A_22 = tpu.memref_slice %arg5[%dma_wait3A, %dma_wait3A_21] : memref<4x32xi32, #tpu.memory_space<vmem>> -> memref<1x32xi32, #tpu.memory_space<vmem>>
    %dma_wait3A_23 = tpu.memref_squeeze %dma_wait3A_22 : memref<1x32xi32, #tpu.memory_space<vmem>> -> memref<32xi32, #tpu.memory_space<vmem>>
    %dma_wait3A_24 = arith.constant 0 : i32
    %dma_wait3A_25 = arith.constant 0 : i32
    %dma_wait3A_26 = arith.constant 0 : i32
    %dma_wait3A_27 = tpu.memref_slice %arg4[%dma_wait3A_24, %dma_wait3A_25, %dma_wait3A_26] : memref<4096x8x128xi32, #tpu.memory_space<hbm>> -> memref<4096x8x128xi32, #tpu.memory_space<hbm>>
    tpu.wait_indirect_dma semaphore(%arg7 : memref<!tpu.dma_semaphore, #tpu.memory_space<semaphore_mem>>) src(%arg6 : memref<32x8x128xi32, #tpu.memory_space<vmem>>) dst(%dma_wait3A_27 : memref<4096x8x128xi32, #tpu.memory_space<hbm>>)
    %add3A_28 = arith.constant 32 : i32
    %add3A_29 = arith.addi %mul3A_11, %add3A_28 : i32
    "tpu.region"() ({
      %run_scoped3A = tpu.sem_alloc : memref<!tpu.dma_semaphore, #tpu.memory_space<semaphore_mem>>
      %dma_start3A_82 = arith.constant 0 : i32
      %dma_start3A_83 = arith.constant 0 : i32
      %dma_start3A_84 = tpu.memref_slice %arg2[%add3A_29, %dma_start3A_82, %dma_start3A_83] : memref<2048x8x128xi32, #tpu.memory_space<hbm>> -> memref<32x8x128xi32, #tpu.memory_space<hbm>>
      %dma_start3A_85 = arith.constant 0 : i32
      %dma_start3A_86 = arith.constant 0 : i32
      %dma_start3A_87 = tpu.memref_slice %arg2[%add3A_29, %dma_start3A_85, %dma_start3A_86] : memref<2048x8x128xi32, #tpu.memory_space<hbm>> -> memref<32x8x128xi32, #tpu.memory_space<hbm>>
      tpu.enqueue_dma source(%dma_start3A_87 : memref<32x8x128xi32, #tpu.memory_space<hbm>>) target(%arg6 : memref<32x8x128xi32, #tpu.memory_space<vmem>>) target_semaphore(%run_scoped3A : memref<!tpu.dma_semaphore, #tpu.memory_space<semaphore_mem>>)
      %dma_wait3A_88 = arith.constant 0 : i32
      %dma_wait3A_89 = arith.constant 0 : i32
      %dma_wait3A_90 = tpu.memref_slice %arg2[%add3A_29, %dma_wait3A_88, %dma_wait3A_89] : memref<2048x8x128xi32, #tpu.memory_space<hbm>> -> memref<32x8x128xi32, #tpu.memory_space<hbm>>
      %dma_wait3A_91 = arith.constant 0 : i32
      %dma_wait3A_92 = arith.constant 0 : i32
      %dma_wait3A_93 = tpu.memref_slice %arg2[%add3A_29, %dma_wait3A_91, %dma_wait3A_92] : memref<2048x8x128xi32, #tpu.memory_space<hbm>> -> memref<32x8x128xi32, #tpu.memory_space<hbm>>
      tpu.wait_dma2 semaphore(%run_scoped3A : memref<!tpu.dma_semaphore, #tpu.memory_space<semaphore_mem>>) src(%dma_wait3A_93 : memref<32x8x128xi32, #tpu.memory_space<hbm>>) dst(%arg6 : memref<32x8x128xi32, #tpu.memory_space<vmem>>)
      tpu.yield
    }) : () -> ()
    %dma_start3A_30 = arith.constant 1 : i32
    %dma_start3A_31 = arith.constant 0 : i32
    %dma_start3A_32 = tpu.memref_slice %arg5[%dma_start3A_30, %dma_start3A_31] : memref<4x32xi32, #tpu.memory_space<vmem>> -> memref<1x32xi32, #tpu.memory_space<vmem>>
    %dma_start3A_33 = tpu.memref_squeeze %dma_start3A_32 : memref<1x32xi32, #tpu.memory_space<vmem>> -> memref<32xi32, #tpu.memory_space<vmem>>
    %dma_start3A_34 = arith.constant 0 : i32
    %dma_start3A_35 = arith.constant 0 : i32
    %dma_start3A_36 = arith.constant 0 : i32
    %dma_start3A_37 = tpu.memref_slice %arg4[%dma_start3A_34, %dma_start3A_35, %dma_start3A_36] : memref<4096x8x128xi32, #tpu.memory_space<hbm>> -> memref<4096x8x128xi32, #tpu.memory_space<hbm>>
    tpu.enqueue_indirect_dma source(%arg6 : memref<32x8x128xi32, #tpu.memory_space<vmem>>) target(%dma_start3A_37 : memref<4096x8x128xi32, #tpu.memory_space<hbm>>) offsets(%dma_start3A_33 : memref<32xi32, #tpu.memory_space<vmem>>) semaphore(%arg7 : memref<!tpu.dma_semaphore, #tpu.memory_space<semaphore_mem>>)
    %dma_wait3A_38 = arith.constant 1 : i32
    %dma_wait3A_39 = arith.constant 0 : i32
    %dma_wait3A_40 = tpu.memref_slice %arg5[%dma_wait3A_38, %dma_wait3A_39] : memref<4x32xi32, #tpu.memory_space<vmem>> -> memref<1x32xi32, #tpu.memory_space<vmem>>
    %dma_wait3A_41 = tpu.memref_squeeze %dma_wait3A_40 : memref<1x32xi32, #tpu.memory_space<vmem>> -> memref<32xi32, #tpu.memory_space<vmem>>
    %dma_wait3A_42 = arith.constant 0 : i32
    %dma_wait3A_43 = arith.constant 0 : i32
    %dma_wait3A_44 = arith.constant 0 : i32
    %dma_wait3A_45 = tpu.memref_slice %arg4[%dma_wait3A_42, %dma_wait3A_43, %dma_wait3A_44] : memref<4096x8x128xi32, #tpu.memory_space<hbm>> -> memref<4096x8x128xi32, #tpu.memory_space<hbm>>
    tpu.wait_indirect_dma semaphore(%arg7 : memref<!tpu.dma_semaphore, #tpu.memory_space<semaphore_mem>>) src(%arg6 : memref<32x8x128xi32, #tpu.memory_space<vmem>>) dst(%dma_wait3A_45 : memref<4096x8x128xi32, #tpu.memory_space<hbm>>)
    %add3A_46 = arith.constant 64 : i32
    %add3A_47 = arith.addi %mul3A_11, %add3A_46 : i32
    "tpu.region"() ({
      %run_scoped3A = tpu.sem_alloc : memref<!tpu.dma_semaphore, #tpu.memory_space<semaphore_mem>>
      %dma_start3A_82 = arith.constant 0 : i32
      %dma_start3A_83 = arith.constant 0 : i32
      %dma_start3A_84 = tpu.memref_slice %arg2[%add3A_47, %dma_start3A_82, %dma_start3A_83] : memref<2048x8x128xi32, #tpu.memory_space<hbm>> -> memref<32x8x128xi32, #tpu.memory_space<hbm>>
      %dma_start3A_85 = arith.constant 0 : i32
      %dma_start3A_86 = arith.constant 0 : i32
      %dma_start3A_87 = tpu.memref_slice %arg2[%add3A_47, %dma_start3A_85, %dma_start3A_86] : memref<2048x8x128xi32, #tpu.memory_space<hbm>> -> memref<32x8x128xi32, #tpu.memory_space<hbm>>
      tpu.enqueue_dma source(%dma_start3A_87 : memref<32x8x128xi32, #tpu.memory_space<hbm>>) target(%arg6 : memref<32x8x128xi32, #tpu.memory_space<vmem>>) target_semaphore(%run_scoped3A : memref<!tpu.dma_semaphore, #tpu.memory_space<semaphore_mem>>)
      %dma_wait3A_88 = arith.constant 0 : i32
      %dma_wait3A_89 = arith.constant 0 : i32
      %dma_wait3A_90 = tpu.memref_slice %arg2[%add3A_47, %dma_wait3A_88, %dma_wait3A_89] : memref<2048x8x128xi32, #tpu.memory_space<hbm>> -> memref<32x8x128xi32, #tpu.memory_space<hbm>>
      %dma_wait3A_91 = arith.constant 0 : i32
      %dma_wait3A_92 = arith.constant 0 : i32
      %dma_wait3A_93 = tpu.memref_slice %arg2[%add3A_47, %dma_wait3A_91, %dma_wait3A_92] : memref<2048x8x128xi32, #tpu.memory_space<hbm>> -> memref<32x8x128xi32, #tpu.memory_space<hbm>>
      tpu.wait_dma2 semaphore(%run_scoped3A : memref<!tpu.dma_semaphore, #tpu.memory_space<semaphore_mem>>) src(%dma_wait3A_93 : memref<32x8x128xi32, #tpu.memory_space<hbm>>) dst(%arg6 : memref<32x8x128xi32, #tpu.memory_space<vmem>>)
      tpu.yield
    }) : () -> ()
    %dma_start3A_48 = arith.constant 2 : i32
    %dma_start3A_49 = arith.constant 0 : i32
    %dma_start3A_50 = tpu.memref_slice %arg5[%dma_start3A_48, %dma_start3A_49] : memref<4x32xi32, #tpu.memory_space<vmem>> -> memref<1x32xi32, #tpu.memory_space<vmem>>
    %dma_start3A_51 = tpu.memref_squeeze %dma_start3A_50 : memref<1x32xi32, #tpu.memory_space<vmem>> -> memref<32xi32, #tpu.memory_space<vmem>>
    %dma_start3A_52 = arith.constant 0 : i32
    %dma_start3A_53 = arith.constant 0 : i32
    %dma_start3A_54 = arith.constant 0 : i32
    %dma_start3A_55 = tpu.memref_slice %arg4[%dma_start3A_52, %dma_start3A_53, %dma_start3A_54] : memref<4096x8x128xi32, #tpu.memory_space<hbm>> -> memref<4096x8x128xi32, #tpu.memory_space<hbm>>
    tpu.enqueue_indirect_dma source(%arg6 : memref<32x8x128xi32, #tpu.memory_space<vmem>>) target(%dma_start3A_55 : memref<4096x8x128xi32, #tpu.memory_space<hbm>>) offsets(%dma_start3A_51 : memref<32xi32, #tpu.memory_space<vmem>>) semaphore(%arg7 : memref<!tpu.dma_semaphore, #tpu.memory_space<semaphore_mem>>)
    %dma_wait3A_56 = arith.constant 2 : i32
    %dma_wait3A_57 = arith.constant 0 : i32
    %dma_wait3A_58 = tpu.memref_slice %arg5[%dma_wait3A_56, %dma_wait3A_57] : memref<4x32xi32, #tpu.memory_space<vmem>> -> memref<1x32xi32, #tpu.memory_space<vmem>>
    %dma_wait3A_59 = tpu.memref_squeeze %dma_wait3A_58 : memref<1x32xi32, #tpu.memory_space<vmem>> -> memref<32xi32, #tpu.memory_space<vmem>>
    %dma_wait3A_60 = arith.constant 0 : i32
    %dma_wait3A_61 = arith.constant 0 : i32
    %dma_wait3A_62 = arith.constant 0 : i32
    %dma_wait3A_63 = tpu.memref_slice %arg4[%dma_wait3A_60, %dma_wait3A_61, %dma_wait3A_62] : memref<4096x8x128xi32, #tpu.memory_space<hbm>> -> memref<4096x8x128xi32, #tpu.memory_space<hbm>>
    tpu.wait_indirect_dma semaphore(%arg7 : memref<!tpu.dma_semaphore, #tpu.memory_space<semaphore_mem>>) src(%arg6 : memref<32x8x128xi32, #tpu.memory_space<vmem>>) dst(%dma_wait3A_63 : memref<4096x8x128xi32, #tpu.memory_space<hbm>>)
    %add3A_64 = arith.constant 96 : i32
    %add3A_65 = arith.addi %mul3A_11, %add3A_64 : i32
    "tpu.region"() ({
      %run_scoped3A = tpu.sem_alloc : memref<!tpu.dma_semaphore, #tpu.memory_space<semaphore_mem>>
      %dma_start3A_82 = arith.constant 0 : i32
      %dma_start3A_83 = arith.constant 0 : i32
      %dma_start3A_84 = tpu.memref_slice %arg2[%add3A_65, %dma_start3A_82, %dma_start3A_83] : memref<2048x8x128xi32, #tpu.memory_space<hbm>> -> memref<32x8x128xi32, #tpu.memory_space<hbm>>
      %dma_start3A_85 = arith.constant 0 : i32
      %dma_start3A_86 = arith.constant 0 : i32
      %dma_start3A_87 = tpu.memref_slice %arg2[%add3A_65, %dma_start3A_85, %dma_start3A_86] : memref<2048x8x128xi32, #tpu.memory_space<hbm>> -> memref<32x8x128xi32, #tpu.memory_space<hbm>>
      tpu.enqueue_dma source(%dma_start3A_87 : memref<32x8x128xi32, #tpu.memory_space<hbm>>) target(%arg6 : memref<32x8x128xi32, #tpu.memory_space<vmem>>) target_semaphore(%run_scoped3A : memref<!tpu.dma_semaphore, #tpu.memory_space<semaphore_mem>>)
      %dma_wait3A_88 = arith.constant 0 : i32
      %dma_wait3A_89 = arith.constant 0 : i32
      %dma_wait3A_90 = tpu.memref_slice %arg2[%add3A_65, %dma_wait3A_88, %dma_wait3A_89] : memref<2048x8x128xi32, #tpu.memory_space<hbm>> -> memref<32x8x128xi32, #tpu.memory_space<hbm>>
      %dma_wait3A_91 = arith.constant 0 : i32
      %dma_wait3A_92 = arith.constant 0 : i32
      %dma_wait3A_93 = tpu.memref_slice %arg2[%add3A_65, %dma_wait3A_91, %dma_wait3A_92] : memref<2048x8x128xi32, #tpu.memory_space<hbm>> -> memref<32x8x128xi32, #tpu.memory_space<hbm>>
      tpu.wait_dma2 semaphore(%run_scoped3A : memref<!tpu.dma_semaphore, #tpu.memory_space<semaphore_mem>>) src(%dma_wait3A_93 : memref<32x8x128xi32, #tpu.memory_space<hbm>>) dst(%arg6 : memref<32x8x128xi32, #tpu.memory_space<vmem>>)
      tpu.yield
    }) : () -> ()
    %dma_start3A_66 = arith.constant 3 : i32
    %dma_start3A_67 = arith.constant 0 : i32
    %dma_start3A_68 = tpu.memref_slice %arg5[%dma_start3A_66, %dma_start3A_67] : memref<4x32xi32, #tpu.memory_space<vmem>> -> memref<1x32xi32, #tpu.memory_space<vmem>>
    %dma_start3A_69 = tpu.memref_squeeze %dma_start3A_68 : memref<1x32xi32, #tpu.memory_space<vmem>> -> memref<32xi32, #tpu.memory_space<vmem>>
    %dma_start3A_70 = arith.constant 0 : i32
    %dma_start3A_71 = arith.constant 0 : i32
    %dma_start3A_72 = arith.constant 0 : i32
    %dma_start3A_73 = tpu.memref_slice %arg4[%dma_start3A_70, %dma_start3A_71, %dma_start3A_72] : memref<4096x8x128xi32, #tpu.memory_space<hbm>> -> memref<4096x8x128xi32, #tpu.memory_space<hbm>>
    tpu.enqueue_indirect_dma source(%arg6 : memref<32x8x128xi32, #tpu.memory_space<vmem>>) target(%dma_start3A_73 : memref<4096x8x128xi32, #tpu.memory_space<hbm>>) offsets(%dma_start3A_69 : memref<32xi32, #tpu.memory_space<vmem>>) semaphore(%arg7 : memref<!tpu.dma_semaphore, #tpu.memory_space<semaphore_mem>>)
    %dma_wait3A_74 = arith.constant 3 : i32
    %dma_wait3A_75 = arith.constant 0 : i32
    %dma_wait3A_76 = tpu.memref_slice %arg5[%dma_wait3A_74, %dma_wait3A_75] : memref<4x32xi32, #tpu.memory_space<vmem>> -> memref<1x32xi32, #tpu.memory_space<vmem>>
    %dma_wait3A_77 = tpu.memref_squeeze %dma_wait3A_76 : memref<1x32xi32, #tpu.memory_space<vmem>> -> memref<32xi32, #tpu.memory_space<vmem>>
    %dma_wait3A_78 = arith.constant 0 : i32
    %dma_wait3A_79 = arith.constant 0 : i32
    %dma_wait3A_80 = arith.constant 0 : i32
    %dma_wait3A_81 = tpu.memref_slice %arg4[%dma_wait3A_78, %dma_wait3A_79, %dma_wait3A_80] : memref<4096x8x128xi32, #tpu.memory_space<hbm>> -> memref<4096x8x128xi32, #tpu.memory_space<hbm>>
    tpu.wait_indirect_dma semaphore(%arg7 : memref<!tpu.dma_semaphore, #tpu.memory_space<semaphore_mem>>) src(%arg6 : memref<32x8x128xi32, #tpu.memory_space<vmem>>) dst(%dma_wait3A_81 : memref<4096x8x128xi32, #tpu.memory_space<hbm>>)
    return
  }
}

module attributes {stable_mosaic.version = 14 : i64} {
  func.func @_router_kernel(%arg0: memref<2048x2048xf32, #tpu.memory_space<vmem>>, %arg1: memref<8x2048xf32, #tpu.memory_space<vmem>>, %arg2: memref<2048x8x128xi32, #tpu.memory_space<vmem>>, %arg3: memref<2048x1xf32, #tpu.memory_space<vmem>>, %arg4: memref<2048x1xf32, #tpu.memory_space<vmem>>, %arg5: memref<2048x1xi32, #tpu.memory_space<vmem>>, %arg6: memref<2048x1xi32, #tpu.memory_space<vmem>>, %arg7: memref<1x8xi32, #tpu.memory_space<vmem>>) attributes {dimension_semantics = [], scalar_prefetch = 0 : i64, scratch_operands = 0 : i64, tpu.core_type = #tpu.core_type<tc>} {
    %get3A = arith.constant 0 : index
    %get3A_0 = arith.constant 0 : index
    %get3A_1 = vector.load %arg0[%get3A, %get3A_0] : memref<2048x2048xf32, #tpu.memory_space<vmem>>, vector<2048x2048xf32>
    %reshape3A = vector.shape_cast %get3A_1 : vector<2048x2048xf32> to vector<2048x16x128xf32>
    %convert_element_type3A = arith.truncf %reshape3A : vector<2048x16x128xf32> to vector<2048x16x128xbf16>
    %bitcast3A = tpu.bitcast %convert_element_type3A : vector<2048x16x128xbf16> -> vector<2048x8x128xi32>
    %swap3A = arith.constant 0 : index
    %swap3A_2 = arith.constant 0 : index
    %swap3A_3 = arith.constant 0 : index
    %swap3A_4 = vector.load %arg2[%swap3A, %swap3A_2, %swap3A_3] : memref<2048x8x128xi32, #tpu.memory_space<vmem>>, vector<2048x8x128xi32>
    tpu.vector_store %arg2[%swap3A, %swap3A_2, %swap3A_3], %bitcast3A {strides = array<i32>} : memref<2048x8x128xi32, #tpu.memory_space<vmem>>, vector<2048x8x128xi32>,
    %convert_element_type3A_5 = arith.truncf %get3A_1 : vector<2048x2048xf32> to vector<2048x2048xbf16>
    %get3A_6 = arith.constant 0 : index
    %get3A_7 = arith.constant 0 : index
    %get3A_8 = vector.load %arg1[%get3A_6, %get3A_7] : memref<8x2048xf32, #tpu.memory_space<vmem>>, vector<8x2048xf32>
    %convert_element_type3A_9 = arith.truncf %get3A_8 : vector<8x2048xf32> to vector<8x2048xbf16>
    %dot_general3A = arith.constant dense<0.000000e+00> : vector<2048x8xf32>
    %dot_general3A_10 = tpu.matmul %convert_element_type3A_5, %convert_element_type3A_9, %dot_general3A {dimension_numbers = #tpu.dot_dimension_numbers<[1], [1], [0], [0], [0, 0, 1, 0], [], []>, transpose_lhs_hint = false} : vector<2048x2048xbf16>, vector<8x2048xbf16>, vector<2048x8xf32> -> vector<2048x8xf32>
    %iota3A = tpu.iota {dimensions = array<i32: 1>} : vector<2048x8xi32>
    %reduce_max3A = arith.constant dense<0xFF800000> : vector<2048xf32>
    %reduce_max3A_11 = vector.multi_reduction <maximumf>, %dot_general3A_10, %reduce_max3A [1] : vector<2048x8xf32> to vector<2048xf32>
    %broadcast_in_dim3A = vector.shape_cast %reduce_max3A_11 : vector<2048xf32> to vector<2048x1xf32>
    %argmax3A = tpu.reduce_index %dot_general3A_10 {axis = 1 : i32, kind = #tpu.reduction_kind<arg_max>} : vector<2048x8xf32> -> vector<2048xi32>
    %broadcast_in_dim3A_12 = vector.shape_cast %argmax3A : vector<2048xi32> to vector<2048x1xi32>
    %eq3A = vector.broadcast %broadcast_in_dim3A_12 : vector<2048x1xi32> to vector<2048x8xi32>
    %eq3A_13 = arith.cmpi eq, %iota3A, %eq3A : vector<2048x8xi32>
    %jit3A = arith.constant -1.000000e+30 : f32
    %broadcast_in_dim3A_14 = vector.broadcast %jit3A : f32 to vector<2048x8xf32>
    %select_n3A = arith.select %eq3A_13, %broadcast_in_dim3A_14, %dot_general3A_10 : vector<2048x8xi1>, vector<2048x8xf32>
    %reduce_max3A_15 = arith.constant dense<0xFF800000> : vector<2048xf32>
    %reduce_max3A_16 = vector.multi_reduction <maximumf>, %select_n3A, %reduce_max3A_15 [1] : vector<2048x8xf32> to vector<2048xf32>
    %broadcast_in_dim3A_17 = vector.shape_cast %reduce_max3A_16 : vector<2048xf32> to vector<2048x1xf32>
    %argmax3A_18 = tpu.reduce_index %select_n3A {axis = 1 : i32, kind = #tpu.reduction_kind<arg_max>} : vector<2048x8xf32> -> vector<2048xi32>
    %broadcast_in_dim3A_19 = vector.shape_cast %argmax3A_18 : vector<2048xi32> to vector<2048x1xi32>
    %sub3A = vector.broadcast %broadcast_in_dim3A : vector<2048x1xf32> to vector<2048x8xf32>
    %sub3A_20 = arith.subf %dot_general3A_10, %sub3A : vector<2048x8xf32>
    %exp3A = math.exp %sub3A_20 : vector<2048x8xf32>
    %reduce_sum3A = arith.constant dense<0.000000e+00> : vector<2048xf32>
    %reduce_sum3A_21 = vector.multi_reduction <add>, %exp3A, %reduce_sum3A [1] : vector<2048x8xf32> to vector<2048xf32>
    %broadcast_in_dim3A_22 = vector.shape_cast %reduce_sum3A_21 : vector<2048xf32> to vector<2048x1xf32>
    %div3A = arith.constant 1.000000e+00 : f32
    %div3A_23 = vector.broadcast %div3A : f32 to vector<2048x1xf32>
    %div3A_24 = arith.divf %div3A_23, %broadcast_in_dim3A_22 : vector<2048x1xf32>
    %swap3A_25 = arith.constant 0 : index
    %swap3A_26 = arith.constant 0 : index
    %swap3A_27 = vector.load %arg3[%swap3A_25, %swap3A_26] : memref<2048x1xf32, #tpu.memory_space<vmem>>, vector<2048x1xf32>
    tpu.vector_store %arg3[%swap3A_25, %swap3A_26], %div3A_24 {strides = array<i32>} : memref<2048x1xf32, #tpu.memory_space<vmem>>, vector<2048x1xf32>,
    %sub3A_28 = arith.subf %broadcast_in_dim3A_17, %broadcast_in_dim3A : vector<2048x1xf32>
    %exp3A_29 = math.exp %sub3A_28 : vector<2048x1xf32>
    %div3A_30 = arith.divf %exp3A_29, %broadcast_in_dim3A_22 : vector<2048x1xf32>
    %swap3A_31 = arith.constant 0 : index
    %swap3A_32 = arith.constant 0 : index
    %swap3A_33 = vector.load %arg4[%swap3A_31, %swap3A_32] : memref<2048x1xf32, #tpu.memory_space<vmem>>, vector<2048x1xf32>
    tpu.vector_store %arg4[%swap3A_31, %swap3A_32], %div3A_30 {strides = array<i32>} : memref<2048x1xf32, #tpu.memory_space<vmem>>, vector<2048x1xf32>,
    %eq3A_34 = vector.broadcast %broadcast_in_dim3A_12 : vector<2048x1xi32> to vector<2048x8xi32>
    %eq3A_35 = arith.cmpi eq, %iota3A, %eq3A_34 : vector<2048x8xi32>
    %convert_element_type3A_36 = arith.extui %eq3A_35 : vector<2048x8xi1> to vector<2048x8xi32>
    %convert_element_type3A_37 = arith.sitofp %convert_element_type3A_36 : vector<2048x8xi32> to vector<2048x8xf32>
    %convert_element_type3A_38 = arith.truncf %convert_element_type3A_37 : vector<2048x8xf32> to vector<2048x8xbf16>
    %eq3A_39 = vector.broadcast %broadcast_in_dim3A_19 : vector<2048x1xi32> to vector<2048x8xi32>
    %eq3A_40 = arith.cmpi eq, %iota3A, %eq3A_39 : vector<2048x8xi32>
    %convert_element_type3A_41 = arith.extui %eq3A_40 : vector<2048x8xi1> to vector<2048x8xi32>
    %convert_element_type3A_42 = arith.sitofp %convert_element_type3A_41 : vector<2048x8xi32> to vector<2048x8xf32>
    %convert_element_type3A_43 = arith.truncf %convert_element_type3A_42 : vector<2048x8xf32> to vector<2048x8xbf16>
    %add3A = arith.addf %convert_element_type3A_38, %convert_element_type3A_43 : vector<2048x8xbf16>
    %iota3A_44 = tpu.iota {dimensions = array<i32: 0>} : vector<2048x2048xi32>
    %iota3A_45 = tpu.iota {dimensions = array<i32: 1>} : vector<2048x2048xi32>
    %lt3A = arith.cmpi slt, %iota3A_45, %iota3A_44 : vector<2048x2048xi32>
    %jit3A_46 = arith.constant 1.000000e+00 : f32
    %jit3A_47 = arith.constant 0.000000e+00 : f32
    %broadcast_in_dim3A_48 = vector.broadcast %jit3A_46 : f32 to vector<2048x2048xf32>
    %broadcast_in_dim3A_49 = vector.broadcast %jit3A_47 : f32 to vector<2048x2048xf32>
    %select_n3A_50 = arith.select %lt3A, %broadcast_in_dim3A_48, %broadcast_in_dim3A_49 : vector<2048x2048xi1>, vector<2048x2048xf32>
    %convert_element_type3A_51 = arith.truncf %select_n3A_50 : vector<2048x2048xf32> to vector<2048x2048xbf16>
    %dot_general3A_52 = arith.constant dense<0.000000e+00> : vector<2048x8xf32>
    %dot_general3A_53 = tpu.matmul %convert_element_type3A_51, %add3A, %dot_general3A_52 {dimension_numbers = #tpu.dot_dimension_numbers<[1], [0], [0], [1], [0, 0, 1, 1], [], []>, transpose_lhs_hint = false} : vector<2048x2048xbf16>, vector<2048x8xbf16>, vector<2048x8xf32> -> vector<2048x8xf32>
    %convert_element_type3A_54 = arith.extf %add3A : vector<2048x8xbf16> to vector<2048x8xf32>
    %reduce_sum3A_55 = arith.constant dense<0.000000e+00> : vector<8xf32>
    %reduce_sum3A_56 = vector.multi_reduction <add>, %convert_element_type3A_54, %reduce_sum3A_55 [0] : vector<2048x8xf32> to vector<8xf32>
    %broadcast_in_dim3A_57 = vector.shape_cast %reduce_sum3A_56 : vector<8xf32> to vector<1x8xf32>
    %iota3A_58 = tpu.iota {dimensions = array<i32: 0>} : vector<8x8xi32>
    %iota3A_59 = tpu.iota {dimensions = array<i32: 1>} : vector<8x8xi32>
    %lt3A_60 = arith.cmpi slt, %iota3A_58, %iota3A_59 : vector<8x8xi32>
    %jit3A_61 = arith.constant 1.000000e+00 : f32
    %jit3A_62 = arith.constant 0.000000e+00 : f32
    %broadcast_in_dim3A_63 = vector.broadcast %jit3A_61 : f32 to vector<8x8xf32>
    %broadcast_in_dim3A_64 = vector.broadcast %jit3A_62 : f32 to vector<8x8xf32>
    %select_n3A_65 = arith.select %lt3A_60, %broadcast_in_dim3A_63, %broadcast_in_dim3A_64 : vector<8x8xi1>, vector<8x8xf32>
    %dot_general3A_66 = arith.constant dense<0.000000e+00> : vector<1x8xf32>
    %dot_general3A_67 = tpu.matmul %broadcast_in_dim3A_57, %select_n3A_65, %dot_general3A_66 {dimension_numbers = #tpu.dot_dimension_numbers<[1], [0], [0], [1], [0, 0, 1, 1], [], []>, precision = #tpu.contract_precision<fp32>, transpose_lhs_hint = false} : vector<1x8xf32>, vector<8x8xf32>, vector<1x8xf32> -> vector<1x8xf32>
    %add3A_68 = vector.broadcast %dot_general3A_67 : vector<1x8xf32> to vector<2048x8xf32>
    %add3A_69 = arith.addf %dot_general3A_53, %add3A_68 : vector<2048x8xf32>
    %eq3A_70 = vector.broadcast %broadcast_in_dim3A_12 : vector<2048x1xi32> to vector<2048x8xi32>
    %eq3A_71 = arith.cmpi eq, %iota3A, %eq3A_70 : vector<2048x8xi32>
    %jit3A_72 = arith.constant 0.000000e+00 : f32
    %broadcast_in_dim3A_73 = vector.broadcast %jit3A_72 : f32 to vector<2048x8xf32>
    %select_n3A_74 = arith.select %eq3A_71, %add3A_69, %broadcast_in_dim3A_73 : vector<2048x8xi1>, vector<2048x8xf32>
    %reduce_sum3A_75 = arith.constant dense<0.000000e+00> : vector<2048xf32>
    %reduce_sum3A_76 = vector.multi_reduction <add>, %select_n3A_74, %reduce_sum3A_75 [1] : vector<2048x8xf32> to vector<2048xf32>
    %broadcast_in_dim3A_77 = vector.shape_cast %reduce_sum3A_76 : vector<2048xf32> to vector<2048x1xf32>
    %eq3A_78 = vector.broadcast %broadcast_in_dim3A_19 : vector<2048x1xi32> to vector<2048x8xi32>
    %eq3A_79 = arith.cmpi eq, %iota3A, %eq3A_78 : vector<2048x8xi32>
    %jit3A_80 = arith.constant 0.000000e+00 : f32
    %broadcast_in_dim3A_81 = vector.broadcast %jit3A_80 : f32 to vector<2048x8xf32>
    %select_n3A_82 = arith.select %eq3A_79, %add3A_69, %broadcast_in_dim3A_81 : vector<2048x8xi1>, vector<2048x8xf32>
    %reduce_sum3A_83 = arith.constant dense<0.000000e+00> : vector<2048xf32>
    %reduce_sum3A_84 = vector.multi_reduction <add>, %select_n3A_82, %reduce_sum3A_83 [1] : vector<2048x8xf32> to vector<2048xf32>
    %broadcast_in_dim3A_85 = vector.shape_cast %reduce_sum3A_84 : vector<2048xf32> to vector<2048x1xf32>
    %convert_element_type3A_86 = arith.fptosi %broadcast_in_dim3A_77 : vector<2048x1xf32> to vector<2048x1xi32>
    %swap3A_87 = arith.constant 0 : index
    %swap3A_88 = arith.constant 0 : index
    %swap3A_89 = vector.load %arg5[%swap3A_87, %swap3A_88] : memref<2048x1xi32, #tpu.memory_space<vmem>>, vector<2048x1xi32>
    tpu.vector_store %arg5[%swap3A_87, %swap3A_88], %convert_element_type3A_86 {strides = array<i32>} : memref<2048x1xi32, #tpu.memory_space<vmem>>, vector<2048x1xi32>,
    %convert_element_type3A_90 = arith.fptosi %broadcast_in_dim3A_85 : vector<2048x1xf32> to vector<2048x1xi32>
    %swap3A_91 = arith.constant 0 : index
    %swap3A_92 = arith.constant 0 : index
    %swap3A_93 = vector.load %arg6[%swap3A_91, %swap3A_92] : memref<2048x1xi32, #tpu.memory_space<vmem>>, vector<2048x1xi32>
    tpu.vector_store %arg6[%swap3A_91, %swap3A_92], %convert_element_type3A_90 {strides = array<i32>} : memref<2048x1xi32, #tpu.memory_space<vmem>>, vector<2048x1xi32>,
    %convert_element_type3A_94 = arith.fptosi %dot_general3A_67 : vector<1x8xf32> to vector<1x8xi32>
    %swap3A_95 = arith.constant 0 : index
    %swap3A_96 = arith.constant 0 : index
    %swap3A_97 = vector.load %arg7[%swap3A_95, %swap3A_96] : memref<1x8xi32, #tpu.memory_space<vmem>>, vector<1x8xi32>
    tpu.vector_store %arg7[%swap3A_95, %swap3A_96], %convert_element_type3A_94 {strides = array<i32>} : memref<1x8xi32, #tpu.memory_space<vmem>>, vector<1x8xi32>,
    return
  }
}

module attributes {stable_mosaic.version = 14 : i64} {
  func.func @_gmm_kernel(%arg0: i32, %arg1: memref<40xi32, #tpu.memory_space<smem>>, %arg2: memref<40xi32, #tpu.memory_space<smem>>, %arg3: memref<40xi32, #tpu.memory_space<smem>>, %arg4: memref<40xi32, #tpu.memory_space<smem>>, %arg5: memref<128x8x128xi32, #tpu.memory_space<vmem>>, %arg6: memref<1x1024x2048xbf16, #tpu.memory_space<vmem>>, %arg7: memref<1x2048x1024xbf16, #tpu.memory_space<vmem>>, %arg8: memref<128x8x128xi32, #tpu.memory_space<vmem>>) attributes {dimension_semantics = [#tpu.dimension_semantics<arbitrary>], iteration_bounds = array<i64: 40>, scalar_prefetch = 4 : i64, scratch_operands = 0 : i64, tpu.core_type = #tpu.core_type<tc>, window_params = [{transform_indices = @transform_0, window_bounds = array<i64: 128, 8, 128>}, {transform_indices = @transform_1, window_bounds = array<i64: 1, 1024, 2048>}, {transform_indices = @transform_2, window_bounds = array<i64: 1, 2048, 1024>}, {transform_indices = @transform_3, window_bounds = array<i64: 128, 8, 128>}]} {
    %get3A = arith.index_cast %arg0 : i32 to index
    %get3A_0 = memref.load %arg3[%get3A] : memref<40xi32, #tpu.memory_space<smem>>
    %get3A_1 = arith.index_cast %arg0 : i32 to index
    %get3A_2 = memref.load %arg4[%get3A_1] : memref<40xi32, #tpu.memory_space<smem>>
    %lt3A = arith.cmpi slt, %get3A_0, %get3A_2 : i32
    %convert_element_type3A = arith.extui %lt3A : i1 to i32
    %cond3A = arith.constant 0 : i32
    %cond3A_3 = arith.cmpi ne, %convert_element_type3A, %cond3A : i32
    scf.if %cond3A_3 {
      %get3A_4 = arith.constant 0 : index
      %get3A_5 = arith.constant 0 : index
      %get3A_6 = arith.constant 0 : index
      %get3A_7 = vector.load %arg5[%get3A_4, %get3A_5, %get3A_6] : memref<128x8x128xi32, #tpu.memory_space<vmem>>, vector<128x8x128xi32>
      %bitcast3A = tpu.bitcast %get3A_7 : vector<128x8x128xi32> -> vector<128x16x128xbf16>
      %reshape3A = vector.shape_cast %bitcast3A : vector<128x16x128xbf16> to vector<128x2048xbf16>
      %get3A_8 = arith.constant 0 : index
      %get3A_9 = arith.constant 0 : index
      %get3A_10 = arith.constant 0 : index
      %get3A_11 = vector.load %arg6[%get3A_8, %get3A_9, %get3A_10] : memref<1x1024x2048xbf16, #tpu.memory_space<vmem>>, vector<1x1024x2048xbf16>
      %get3A_12 = vector.shape_cast %get3A_11 : vector<1x1024x2048xbf16> to vector<1024x2048xbf16>
      %dot_general3A = arith.constant dense<0.000000e+00> : vector<128x1024xf32>
      %dot_general3A_13 = tpu.matmul %reshape3A, %get3A_12, %dot_general3A {dimension_numbers = #tpu.dot_dimension_numbers<[1], [1], [0], [0], [0, 0, 1, 0], [], []>, transpose_lhs_hint = false} : vector<128x2048xbf16>, vector<1024x2048xbf16>, vector<128x1024xf32> -> vector<128x1024xf32>
      %max3A = arith.constant 0.000000e+00 : f32
      %max3A_14 = vector.broadcast %max3A : f32 to vector<128x1024xf32>
      %max3A_15 = arith.maximumf %dot_general3A_13, %max3A_14 : vector<128x1024xf32>
      %mul3A = arith.mulf %max3A_15, %max3A_15 : vector<128x1024xf32>
      %convert_element_type3A_16 = arith.truncf %mul3A : vector<128x1024xf32> to vector<128x1024xbf16>
      %get3A_17 = arith.constant 0 : index
      %get3A_18 = arith.constant 0 : index
      %get3A_19 = arith.constant 0 : index
      %get3A_20 = vector.load %arg7[%get3A_17, %get3A_18, %get3A_19] : memref<1x2048x1024xbf16, #tpu.memory_space<vmem>>, vector<1x2048x1024xbf16>
      %get3A_21 = vector.shape_cast %get3A_20 : vector<1x2048x1024xbf16> to vector<2048x1024xbf16>
      %dot_general3A_22 = arith.constant dense<0.000000e+00> : vector<128x2048xf32>
      %dot_general3A_23 = tpu.matmul %convert_element_type3A_16, %get3A_21, %dot_general3A_22 {dimension_numbers = #tpu.dot_dimension_numbers<[1], [1], [0], [0], [0, 0, 1, 0], [], []>, transpose_lhs_hint = false} : vector<128x1024xbf16>, vector<2048x1024xbf16>, vector<128x2048xf32> -> vector<128x2048xf32>
      %get3A_24 = arith.index_cast %arg0 : i32 to index
      %get3A_25 = memref.load %arg1[%get3A_24] : memref<40xi32, #tpu.memory_space<smem>>
      %mul3A_26 = arith.constant 128 : i32
      %mul3A_27 = arith.muli %get3A_25, %mul3A_26 : i32
      %iota3A = tpu.iota {dimensions = array<i32: 0>} : vector<128x1x1xi32>
      %add3A = vector.broadcast %mul3A_27 : i32 to vector<128x1x1xi32>
      %add3A_28 = arith.addi %add3A, %iota3A : vector<128x1x1xi32>
      %ge3A = vector.broadcast %get3A_0 : i32 to vector<128x1x1xi32>
      %ge3A_29 = arith.cmpi sge, %add3A_28, %ge3A : vector<128x1x1xi32>
      %lt3A_30 = vector.broadcast %get3A_2 : i32 to vector<128x1x1xi32>
      %lt3A_31 = arith.cmpi slt, %add3A_28, %lt3A_30 : vector<128x1x1xi32>
      %and3A = arith.andi %ge3A_29, %lt3A_31 : vector<128x1x1xi1>
      %reshape3A_32 = vector.shape_cast %dot_general3A_23 : vector<128x2048xf32> to vector<128x16x128xf32>
      %convert_element_type3A_33 = arith.truncf %reshape3A_32 : vector<128x16x128xf32> to vector<128x16x128xbf16>
      %bitcast3A_34 = tpu.bitcast %convert_element_type3A_33 : vector<128x16x128xbf16> -> vector<128x8x128xi32>
      %get3A_35 = arith.constant 0 : index
      %get3A_36 = arith.constant 0 : index
      %get3A_37 = arith.constant 0 : index
      %get3A_38 = vector.load %arg8[%get3A_35, %get3A_36, %get3A_37] : memref<128x8x128xi32, #tpu.memory_space<vmem>>, vector<128x8x128xi32>
      %broadcast_in_dim3A = vector.shape_cast %and3A : vector<128x1x1xi1> to vector<128x1x1xi1>
      %broadcast_in_dim3A_39 = vector.broadcast %broadcast_in_dim3A : vector<128x1x1xi1> to vector<128x8x128xi1>
      %select_n3A = arith.select %broadcast_in_dim3A_39, %bitcast3A_34, %get3A_38 : vector<128x8x128xi1>, vector<128x8x128xi32>
      %swap3A = arith.constant 0 : index
      %swap3A_40 = arith.constant 0 : index
      %swap3A_41 = arith.constant 0 : index
      %swap3A_42 = vector.load %arg8[%swap3A, %swap3A_40, %swap3A_41] : memref<128x8x128xi32, #tpu.memory_space<vmem>>, vector<128x8x128xi32>
      tpu.vector_store %arg8[%swap3A, %swap3A_40, %swap3A_41], %select_n3A {strides = array<i32>} : memref<128x8x128xi32, #tpu.memory_space<vmem>>, vector<128x8x128xi32>,
    } else {
    }
    return
  }
  func.func @transform_0(%arg0: i32, %arg1: memref<40xi32, #tpu.memory_space<smem>>, %arg2: memref<40xi32, #tpu.memory_space<smem>>, %arg3: memref<40xi32, #tpu.memory_space<smem>>, %arg4: memref<40xi32, #tpu.memory_space<smem>>) -> (i32, i32, i32) {
    %get3A = arith.index_cast %arg0 : i32 to index
    %get3A_0 = memref.load %arg1[%get3A] : memref<40xi32, #tpu.memory_space<smem>>
    %c0_i32 = arith.constant 0 : i32
    %c0_i32_1 = arith.constant 0 : i32
    %c0_i32_2 = arith.constant 0 : i32
    return %get3A_0, %c0_i32, %c0_i32_1 : i32, i32, i32
  }
  func.func @transform_1(%arg0: i32, %arg1: memref<40xi32, #tpu.memory_space<smem>>, %arg2: memref<40xi32, #tpu.memory_space<smem>>, %arg3: memref<40xi32, #tpu.memory_space<smem>>, %arg4: memref<40xi32, #tpu.memory_space<smem>>) -> (i32, i32, i32) {
    %get3A = arith.index_cast %arg0 : i32 to index
    %get3A_0 = memref.load %arg2[%get3A] : memref<40xi32, #tpu.memory_space<smem>>
    %c0_i32 = arith.constant 0 : i32
    %c0_i32_1 = arith.constant 0 : i32
    %c0_i32_2 = arith.constant 0 : i32
    return %get3A_0, %c0_i32, %c0_i32_1 : i32, i32, i32
  }
  func.func @transform_2(%arg0: i32, %arg1: memref<40xi32, #tpu.memory_space<smem>>, %arg2: memref<40xi32, #tpu.memory_space<smem>>, %arg3: memref<40xi32, #tpu.memory_space<smem>>, %arg4: memref<40xi32, #tpu.memory_space<smem>>) -> (i32, i32, i32) {
    %get3A = arith.index_cast %arg0 : i32 to index
    %get3A_0 = memref.load %arg2[%get3A] : memref<40xi32, #tpu.memory_space<smem>>
    %c0_i32 = arith.constant 0 : i32
    %c0_i32_1 = arith.constant 0 : i32
    %c0_i32_2 = arith.constant 0 : i32
    return %get3A_0, %c0_i32, %c0_i32_1 : i32, i32, i32
  }
  func.func @transform_3(%arg0: i32, %arg1: memref<40xi32, #tpu.memory_space<smem>>, %arg2: memref<40xi32, #tpu.memory_space<smem>>, %arg3: memref<40xi32, #tpu.memory_space<smem>>, %arg4: memref<40xi32, #tpu.memory_space<smem>>) -> (i32, i32, i32) {
    %get3A = arith.index_cast %arg0 : i32 to index
    %get3A_0 = memref.load %arg1[%get3A] : memref<40xi32, #tpu.memory_space<smem>>
    %c0_i32 = arith.constant 0 : i32
    %c0_i32_1 = arith.constant 0 : i32
    %c0_i32_2 = arith.constant 0 : i32
    return %get3A_0, %c0_i32, %c0_i32_1 : i32, i32, i32
  }
}

module attributes {stable_mosaic.version = 14 : i64} {
  func.func @_shared_kernel(%arg0: i32, %arg1: memref<512x8x128xi32, #tpu.memory_space<vmem>>, %arg2: memref<1024x2048xbf16, #tpu.memory_space<vmem>>, %arg3: memref<2048x1024xbf16, #tpu.memory_space<vmem>>, %arg4: memref<512x2048xf32, #tpu.memory_space<vmem>>) attributes {dimension_semantics = [#tpu.dimension_semantics<arbitrary>], iteration_bounds = array<i64: 4>, scalar_prefetch = 0 : i64, scratch_operands = 0 : i64, tpu.core_type = #tpu.core_type<tc>, window_params = [{transform_indices = @transform_0, window_bounds = array<i64: 512, 8, 128>}, {pipeline_mode = #tpu.pipeline_mode<synchronous>, transform_indices = @transform_1, window_bounds = array<i64: 1024, 2048>}, {pipeline_mode = #tpu.pipeline_mode<synchronous>, transform_indices = @transform_2, window_bounds = array<i64: 2048, 1024>}, {transform_indices = @transform_3, window_bounds = array<i64: 512, 2048>}]} {
    %get3A = arith.constant 0 : index
    %get3A_0 = arith.constant 0 : index
    %get3A_1 = arith.constant 0 : index
    %get3A_2 = vector.load %arg1[%get3A, %get3A_0, %get3A_1] : memref<512x8x128xi32, #tpu.memory_space<vmem>>, vector<512x8x128xi32>
    %bitcast3A = tpu.bitcast %get3A_2 : vector<512x8x128xi32> -> vector<512x16x128xbf16>
    %reshape3A = vector.shape_cast %bitcast3A : vector<512x16x128xbf16> to vector<512x2048xbf16>
    %get3A_3 = arith.constant 0 : index
    %get3A_4 = arith.constant 0 : index
    %get3A_5 = vector.load %arg2[%get3A_3, %get3A_4] : memref<1024x2048xbf16, #tpu.memory_space<vmem>>, vector<1024x2048xbf16>
    %dot_general3A = arith.constant dense<0.000000e+00> : vector<512x1024xf32>
    %dot_general3A_6 = tpu.matmul %reshape3A, %get3A_5, %dot_general3A {dimension_numbers = #tpu.dot_dimension_numbers<[1], [1], [0], [0], [0, 0, 1, 0], [], []>, transpose_lhs_hint = false} : vector<512x2048xbf16>, vector<1024x2048xbf16>, vector<512x1024xf32> -> vector<512x1024xf32>
    %max3A = arith.constant 0.000000e+00 : f32
    %max3A_7 = vector.broadcast %max3A : f32 to vector<512x1024xf32>
    %max3A_8 = arith.maximumf %dot_general3A_6, %max3A_7 : vector<512x1024xf32>
    %mul3A = arith.mulf %max3A_8, %max3A_8 : vector<512x1024xf32>
    %convert_element_type3A = arith.truncf %mul3A : vector<512x1024xf32> to vector<512x1024xbf16>
    %get3A_9 = arith.constant 0 : index
    %get3A_10 = arith.constant 0 : index
    %get3A_11 = vector.load %arg3[%get3A_9, %get3A_10] : memref<2048x1024xbf16, #tpu.memory_space<vmem>>, vector<2048x1024xbf16>
    %dot_general3A_12 = arith.constant dense<0.000000e+00> : vector<512x2048xf32>
    %dot_general3A_13 = tpu.matmul %convert_element_type3A, %get3A_11, %dot_general3A_12 {dimension_numbers = #tpu.dot_dimension_numbers<[1], [1], [0], [0], [0, 0, 1, 0], [], []>, transpose_lhs_hint = false} : vector<512x1024xbf16>, vector<2048x1024xbf16>, vector<512x2048xf32> -> vector<512x2048xf32>
    %swap3A = arith.constant 0 : index
    %swap3A_14 = arith.constant 0 : index
    %swap3A_15 = vector.load %arg4[%swap3A, %swap3A_14] : memref<512x2048xf32, #tpu.memory_space<vmem>>, vector<512x2048xf32>
    tpu.vector_store %arg4[%swap3A, %swap3A_14], %dot_general3A_13 {strides = array<i32>} : memref<512x2048xf32, #tpu.memory_space<vmem>>, vector<512x2048xf32>,
    return
  }
  func.func @transform_0(%arg0: i32) -> (i32, i32, i32) {
    %c0_i32 = arith.constant 0 : i32
    %c0_i32_0 = arith.constant 0 : i32
    %c0_i32_1 = arith.constant 0 : i32
    return %arg0, %c0_i32, %c0_i32_0 : i32, i32, i32
  }
  func.func @transform_1(%arg0: i32) -> (i32, i32) {
    %c0_i32 = arith.constant 0 : i32
    %c0_i32_0 = arith.constant 0 : i32
    %c0_i32_1 = arith.constant 0 : i32
    return %c0_i32, %c0_i32_0 : i32, i32
  }
  func.func @transform_2(%arg0: i32) -> (i32, i32) {
    %c0_i32 = arith.constant 0 : i32
    %c0_i32_0 = arith.constant 0 : i32
    %c0_i32_1 = arith.constant 0 : i32
    return %c0_i32, %c0_i32_0 : i32, i32
  }
  func.func @transform_3(%arg0: i32) -> (i32, i32) {
    %c0_i32 = arith.constant 0 : i32
    %c0_i32_0 = arith.constant 0 : i32
    return %arg0, %c0_i32 : i32, i32
  }
}

module attributes {stable_mosaic.version = 14 : i64} {
  func.func @_combine_kernel(%arg0: i32, %arg1: memref<512x2048xf32, #tpu.memory_space<vmem>>, %arg2: memref<512x1xf32, #tpu.memory_space<vmem>>, %arg3: memref<512x1xf32, #tpu.memory_space<vmem>>, %arg4: memref<512x8x128xi32, #tpu.memory_space<vmem>>, %arg5: memref<512x8x128xi32, #tpu.memory_space<vmem>>, %arg6: memref<512x2048xf32, #tpu.memory_space<vmem>>) attributes {dimension_semantics = [#tpu.dimension_semantics<arbitrary>], iteration_bounds = array<i64: 4>, scalar_prefetch = 0 : i64, scratch_operands = 0 : i64, tpu.core_type = #tpu.core_type<tc>, window_params = [{transform_indices = @transform_0, window_bounds = array<i64: 512, 2048>}, {transform_indices = @transform_1, window_bounds = array<i64: 512, 1>}, {transform_indices = @transform_2, window_bounds = array<i64: 512, 1>}, {transform_indices = @transform_3, window_bounds = array<i64: 512, 8, 128>}, {transform_indices = @transform_4, window_bounds = array<i64: 512, 8, 128>}, {transform_indices = @transform_5, window_bounds = array<i64: 512, 2048>}]} {
    %get3A = arith.constant 0 : index
    %get3A_0 = arith.constant 0 : index
    %get3A_1 = vector.load %arg1[%get3A, %get3A_0] : memref<512x2048xf32, #tpu.memory_space<vmem>>, vector<512x2048xf32>
    %get3A_2 = arith.constant 0 : index
    %get3A_3 = arith.constant 0 : index
    %get3A_4 = arith.constant 0 : index
    %get3A_5 = vector.load %arg4[%get3A_2, %get3A_3, %get3A_4] : memref<512x8x128xi32, #tpu.memory_space<vmem>>, vector<512x8x128xi32>
    %bitcast3A = tpu.bitcast %get3A_5 : vector<512x8x128xi32> -> vector<512x16x128xbf16>
    %reshape3A = vector.shape_cast %bitcast3A : vector<512x16x128xbf16> to vector<512x2048xbf16>
    %convert_element_type3A = arith.extf %reshape3A : vector<512x2048xbf16> to vector<512x2048xf32>
    %get3A_6 = arith.constant 0 : index
    %get3A_7 = arith.constant 0 : index
    %get3A_8 = arith.constant 0 : index
    %get3A_9 = vector.load %arg5[%get3A_6, %get3A_7, %get3A_8] : memref<512x8x128xi32, #tpu.memory_space<vmem>>, vector<512x8x128xi32>
    %bitcast3A_10 = tpu.bitcast %get3A_9 : vector<512x8x128xi32> -> vector<512x16x128xbf16>
    %reshape3A_11 = vector.shape_cast %bitcast3A_10 : vector<512x16x128xbf16> to vector<512x2048xbf16>
    %convert_element_type3A_12 = arith.extf %reshape3A_11 : vector<512x2048xbf16> to vector<512x2048xf32>
    %get3A_13 = arith.constant 0 : index
    %get3A_14 = arith.constant 0 : index
    %get3A_15 = vector.load %arg2[%get3A_13, %get3A_14] : memref<512x1xf32, #tpu.memory_space<vmem>>, vector<512x1xf32>
    %mul3A = vector.broadcast %get3A_15 : vector<512x1xf32> to vector<512x2048xf32>
    %mul3A_16 = arith.mulf %mul3A, %convert_element_type3A : vector<512x2048xf32>
    %add3A = arith.addf %get3A_1, %mul3A_16 : vector<512x2048xf32>
    %get3A_17 = arith.constant 0 : index
    %get3A_18 = arith.constant 0 : index
    %get3A_19 = vector.load %arg3[%get3A_17, %get3A_18] : memref<512x1xf32, #tpu.memory_space<vmem>>, vector<512x1xf32>
    %mul3A_20 = vector.broadcast %get3A_19 : vector<512x1xf32> to vector<512x2048xf32>
    %mul3A_21 = arith.mulf %mul3A_20, %convert_element_type3A_12 : vector<512x2048xf32>
    %add3A_22 = arith.addf %add3A, %mul3A_21 : vector<512x2048xf32>
    %swap3A = arith.constant 0 : index
    %swap3A_23 = arith.constant 0 : index
    %swap3A_24 = vector.load %arg6[%swap3A, %swap3A_23] : memref<512x2048xf32, #tpu.memory_space<vmem>>, vector<512x2048xf32>
    tpu.vector_store %arg6[%swap3A, %swap3A_23], %add3A_22 {strides = array<i32>} : memref<512x2048xf32, #tpu.memory_space<vmem>>, vector<512x2048xf32>,
    return
  }
  func.func @transform_0(%arg0: i32) -> (i32, i32) {
    %c0_i32 = arith.constant 0 : i32
    %c0_i32_0 = arith.constant 0 : i32
    return %arg0, %c0_i32 : i32, i32
  }
  func.func @transform_1(%arg0: i32) -> (i32, i32) {
    %c0_i32 = arith.constant 0 : i32
    %c0_i32_0 = arith.constant 0 : i32
    return %arg0, %c0_i32 : i32, i32
  }
  func.func @transform_2(%arg0: i32) -> (i32, i32) {
    %c0_i32 = arith.constant 0 : i32
    %c0_i32_0 = arith.constant 0 : i32
    return %arg0, %c0_i32 : i32, i32
  }
  func.func @transform_3(%arg0: i32) -> (i32, i32, i32) {
    %c0_i32 = arith.constant 0 : i32
    %c0_i32_0 = arith.constant 0 : i32
    %c0_i32_1 = arith.constant 0 : i32
    return %arg0, %c0_i32, %c0_i32_0 : i32, i32, i32
  }
  func.func @transform_4(%arg0: i32) -> (i32, i32, i32) {
    %add3A = arith.constant 4 : i32
    %add3A_0 = arith.addi %arg0, %add3A : i32
    %c0_i32 = arith.constant 0 : i32
    %c0_i32_1 = arith.constant 0 : i32
    %c0_i32_2 = arith.constant 0 : i32
    return %add3A_0, %c0_i32, %c0_i32_1 : i32, i32, i32
  }
  func.func @transform_5(%arg0: i32) -> (i32, i32) {
    %c0_i32 = arith.constant 0 : i32
    %c0_i32_0 = arith.constant 0 : i32
    return %arg0, %c0_i32 : i32, i32
  }
}

</mosaic_0001>

<sc_bundles>
// kernel: kernel.11.cloned.1.call-start
scs
__scs_entry_jumppad:
0x0: {  	(pc) =	sbr.rel $0x88, $3  }
0x1: {  	(tag) =	ssettag $0x0;
	lr =	simm.s32 $0x1  }
0x2: {  	[smem:$0x3F9B] =	sst lr;
	_ =	strace $0xD0000000  }
0x3: {  	_ = 	snop  }
0x4: {  	_ = 	snop  }
0x5: {  	_ = 	snop  }
0x6: {  	_ = 	snop  }
0x7: {  	_ = 	snop  }
__scs_overlays_trampoline_lowered:
0x8: {  	[smem:$0x3FAA] =	sst s0  }
0x9: {  	[smem:$0x3FAB] =	sst s1  }
0xa: {  	[smem:$0x3FAC] =	sst s2  }
0xb: {  	[smem:$0x3FAD] =	sst s3  }
0xc: {  	[smem:$0x3FAE] =	sst s4  }
0xd: {  	[smem:$0x3FAF] =	sst s5  }
0xe: {  	[smem:$0x3FB0] =	sst s6  }
0xf: {  	[smem:$0x3FB1] =	sst s7  }
0x10: {  	[smem:$0x3FB2] =	sst s8  }
0x11: {  	[smem:$0x3FB3] =	sst s9;
	s0 =	simm.s32 @!p0 $0x0  }
0x12: {  	s1 =	sld [smem:$0x3F99];
	s0 =	simm.s32 @p0 $0x1  }
0x13: {  	[smem:$0x3FB4] =	sst s0;
	s0 =	simm.s32 @!p1 $0x0  }
0x14: {  	s2 =	sld [smem:$0x3F98];
	s0 =	simm.s32 @p1 $0x1  }
0x15: {  	[smem:$0x3FB5] =	sst s0;
	s0 =	simm.s32 @!p2 $0x0  }
0x16: {  	s3 =	sld [smem:$0x3FDB];
	s0 =	simm.s32 @p2 $0x1  }
0x17: {  	s4 =	simm.s32 $0x1BF5;
	[smem:$0x3FB7] =	sst s0  }
0x18: {  	s0 =	sld [smem:$0x3F9A];
	_ =	swait.ge [sflag:s4], $0x0  }
0x19: {  	s7 =	sld [smem:$0x3F9B]  }
0x1a: {  	s8 =	sadd.s32 $0xFFFFE003, lr  }
0x1b: {  	s9 =	sadd.s32 $0xFFFFFEF7, lr;
	s5 =	simm.s32 $0xFFFFFFFF;
	p2 =	slt.u32 s8, $0xFFFFF086  }
0x1c: {  	p1 =	slt.u32 s9, $0xF7A;
	s5 =	simm.s32 @!p2 $0x0  }
0x1d: {  	s5 =	simm.s32 @p1 $0x1;
	p0 =	seq.s32 s7, s2  }
0x1e: {  	s7 =	smul.u32 @!p0 $0xF7A, s2;
	p2 =	seq.s32 @!p0 s5, $0x0  }
0x1f: {  	s9 =	smul.u32 $0xF7A, s1;
	s8 =	simm.s32 @!p0 $0x1BF5;
	p2 =	por !p2, p0  }
0x20: {  	[sflag:s8] =	ssyncset.s32 @!p0 $0xFFFFF086;
	s6 =	sadd.s32 @!p0 s3, s7;
	s7 =	simm.s32 @!p0 $0x108  }
0x21: {  	s3 =	sadd.s32 s3, s9;
	s6 =	sadd.s32 @!p0 $0x88, s6;
	s7 =	simm.s32 @p2 $0x1082  }
0x22: {  	[simem:s7], [sflag:s8] =	dma.local @!p0 [hbm:s6], $0xF7A  }
0x23: {  	s9 =	sor.u32 $0xD0000000, s2;
	s6 =	simm.s32 $0x108;
	_ =	swait.ge @!p0 [sflag:s8], $0x0  }
0x24: {  	s3 =	sadd.s32 $0x88, s3;
	s6 =	simm.s32 @!p1 $0x1082;
	[sflag:s4] =	ssyncset.s32 $0xFFFFF086  }
0x25: {  	[simem:s6], [sflag:s4] =	dma.local [hbm:s3], $0xF7A  }
0x26: {  	[smem:$0x3F9B] =	sst s1;
	(tag) =	ssettag s2;
	_ =	strace s9  }
0x27: {  	s1 =	sld [smem:$0x3FAB]  }
0x28: {  	s2 =	sld [smem:$0x3FAC]  }
0x29: {  	s4 =	sld [smem:$0x3FAE]  }
0x2a: {  	p0 =	seq.s32 s5, $0x0;
	s5 =	sld [smem:$0x3FAF]  }
0x2b: {  	s6 =	sld [smem:$0x3FB0]  }
0x2c: {  	s7 =	sld [smem:$0x3FB1]  }
0x2d: {  	s3 =	simm.s32 $0x108;
	s8 =	sld [smem:$0x3FB2]  }
0x2e: {  	s3 =	simm.s32 @!p0 $0x1082;
	s9 =	sld [smem:$0x3FB3]  }
0x2f: {  	lr =	sadd.s32 s0, s3;
	s0 =	sld [smem:$0x3FAA]  }
0x30: {  	s3 =	sld [smem:$0x3FAD]  }
0x31: {  	[smem:$0x3FB6] =	sst s10  }
0x32: {  	s10 =	sld [smem:$0x3FB4];
	_ =	sdelay $0x3  }
0x33: {  	p0 =	seq.s32 s10, $0x1;
	s10 =	sld [smem:$0x3FB6];
	_ =	sdelay $0x3  }
0x34: {  	[smem:$0x3FB6] =	sst s10  }
0x35: {  	s10 =	sld [smem:$0x3FB5];
	_ =	sdelay $0x3  }
0x36: {  	p1 =	seq.s32 s10, $0x1;
	s10 =	sld [smem:$0x3FB6];
	_ =	sdelay $0x3  }
0x37: {  	[smem:$0x3FB6] =	sst s10  }
0x38: {  	s10 =	sld [smem:$0x3FB7]  }
0x39: {  	_ = 	snop;
	(pc) =	sbr.ind lr, $3  }
0x3a: {  	_ = 	snop  }
0x3b: {  	_ = 	snop  }
0x3c: {  	p2 =	seq.s32 s10, $0x1;
	s10 =	sld [smem:$0x3FB6]  }
0x3d: {  	_ =	shalt  }
0x3e: {  	_ =	shalt  }
0x3f: {  	_ =	shalt  }
0x40: {  	_ =	shalt  }
0x41: {  	_ =	shalt  }
0x42: {  	_ =	shalt  }
0x43: {  	_ =	shalt  }
0x44: {  	_ =	shalt  }
0x45: {  	_ =	shalt  }
0x46: {  	_ =	shalt  }
0x47: {  	_ =	shalt  }
0x48: {  	_ =	shalt  }
0x49: {  	_ =	shalt  }
0x4a: {  	_ =	shalt  }
0x4b: {  	_ =	shalt  }
0x4c: {  	_ =	shalt  }
0x4d: {  	_ =	shalt  }
0x4e: {  	_ =	shalt  }
0x4f: {  	_ =	shalt  }
0x50: {  	_ =	shalt  }
0x51: {  	_ =	shalt  }
0x52: {  	_ =	shalt  }
0x53: {  	_ =	shalt  }
0x54: {  	_ =	shalt  }
0x55: {  	_ =	shalt  }
0x56: {  	_ =	shalt  }
0x57: {  	_ =	shalt  }
0x58: {  	_ =	shalt  }
0x59: {  	_ =	shalt  }
0x5a: {  	_ =	shalt  }
0x5b: {  	_ =	shalt  }
0x5c: {  	_ =	shalt  }
0x5d: {  	_ =	shalt  }
0x5e: {  	_ =	shalt  }
0x5f: {  	_ =	shalt  }
0x60: {  	_ =	shalt  }
0x61: {  	_ =	shalt  }
0x62: {  	_ =	shalt  }
0x63: {  	_ =	shalt  }
0x64: {  	_ =	shalt  }
0x65: {  	_ =	shalt  }
0x66: {  	_ =	shalt  }
0x67: {  	_ =	shalt  }
0x68: {  	_ =	shalt  }
0x69: {  	_ =	shalt  }
0x6a: {  	_ =	shalt  }
0x6b: {  	_ =	shalt  }
0x6c: {  	_ =	shalt  }
0x6d: {  	_ =	shalt  }
0x6e: {  	_ =	shalt  }
0x6f: {  	_ =	shalt  }
0x70: {  	_ =	shalt  }
0x71: {  	_ =	shalt  }
0x72: {  	_ =	shalt  }
0x73: {  	_ =	shalt  }
0x74: {  	_ =	shalt  }
0x75: {  	_ =	shalt  }
0x76: {  	_ =	shalt  }
0x77: {  	_ =	shalt  }
0x78: {  	_ =	shalt  }
0x79: {  	_ =	shalt  }
0x7a: {  	_ =	shalt  }
0x7b: {  	_ =	shalt  }
0x7c: {  	_ =	shalt  }
0x7d: {  	_ =	shalt  }
0x7e: {  	_ =	shalt  }
0x7f: {  	_ =	shalt  }
0x80: {  	_ =	shalt  }
0x81: {  	_ =	shalt  }
0x82: {  	_ =	shalt  }
0x83: {  	_ =	shalt  }
0x84: {  	_ =	shalt  }
0x85: {  	_ =	shalt  }
0x86: {  	_ =	shalt  }
0x87: {  	_ =	shalt  }
.Lfunc_end0:
.L_simem_size_0:
called_computation.1_lowered:
.L_overlay_start_0:
0x88: {  	s2 =	sld [smem:$0x3FD9]  }
0x89: {  	s3 =	sld [smem:$0x3FFE];
	_ =	sdelay $0x1  }
0x8a: {  	s1 =	srdreg.scid  }
0x8b: {  	s0 =	sand.u32 $0x1, s1  }
0x8c: {  	s16 =	sshll.u32 s0, $0xA;
	s2 =	sadd.s32 s3, s2  }
0x8d: {  	s2 =	sadd.s32 s2, s16  }
0x8e: {  	[smem:$0x3FC2] =	sst s2  }
0x8f: {  	_ = 	snop  }
0x90: {  	(tm) =	ssettm $0x1  }
0x91: {  	s17 =	sld [smem:$0x3FFB];
	_ =	sdelay $0x3  }
0x92: {  	_ =	strace s17  }
0x93: {  	s2 =	sld [smem:$0x3FFC];
	_ =	sdelay $0x3  }
0x94: {  	_ =	strace s2  }
0x95: {  	s2 =	sld [smem:$0x3FFD];
	_ =	sdelay $0x3  }
0x96: {  	_ =	strace s2  }
0x97: {  	_ =	strace $0x8FFFFFFF  }
0x98: {  	s18 =	sld [smem:$0x3FDB];
	_ =	sdelay $0x1  }
0x99: {  	s19 =	simm.s32 $_scs_section_size  }
0x9a: {  	s4 =	simm.s32 $_size__tile_overlayer_lowered;
	s5 =	simm.s32 $_tile_overlayer_lowered  }
0x9b: {  	s22 =	simm.s32 $0x1BFF;
	s21 =	sshll.u32 s5, $0x1;
	s2 =	sadd.s32 s19, s18  }
0x9c: {  	s6 =	simm.s32 $0x0;
	s20 =	sshll.u32 s4, $0x1;
	s4 =	sadd.s32 s21, s2  }
0x9d: {  	[timem:s6], [sflag:s22] =	dma.local [hbm:s4], s20  }
0x9e: {  	_ =	swait.ge [sflag:s22], s20  }
0x9f: {  	s3 =	ssub.s32 $0x0, s20;
	[sflag:s22] =	ssyncset.done $0x0  }
0xa0: {  	[sflag:s22] =	ssyncadd.s32 s3;
	_ =	sdelay $0x1  }
0xa1: {  	s23 =	simm.s32 $0x1B8B  }
0xa2: {  	_ =	swait.ge [sflag:s23], $0x1  }
0xa3: {  	[sflag:s23] =	ssyncset.done $0x0  }
0xa4: {  	s25 =	simm.s32 $0x1B8E;
	s24 =	sld [smem:$0x3FFE];
	[sflag:s23] =	ssyncadd.s32 $0xFFFFFFFF  }
0xa5: {  	s26 =	simm.s32 $execute0_lowered;
	[smem:$0x3FD2] =	sst s25  }
0xa6: {  	s4 =	sshll.u32 s26, $0x1;
	_ =	strace $0x80000049;
	[dreg:$0x1] =	wrdreg $0xFFFFFFFF  }
0xa7: {  	s28 =	simm.s32 $_size_execute0_lowered;
	s2 =	sadd.s32 s2, s4;
	[dreg:$0x0] =	wrdreg $0x0  }
0xa8: {  	s4 =	sshll.u32 s28, $0x1;
	[dreg:$0x2] =	wrdreg s2  }
0xa9: {  	[dreg:$0x3] =	wrdreg s4  }
0xaa: {  	[dreg:$0x4] =	wrdreg $0xC0  }
0xab: {  	_ =	task [dreg:s6], $0x5FFFF  }
0xac: {  	[dreg:$0x1] =	wrdreg $0xFFFFFFFF  }
0xad: {  	[dreg:$0x0] =	wrdreg $0x60  }
0xae: {  	[dreg:$0x2] =	wrdreg s24  }
0xaf: {  	[dreg:$0x3] =	wrdreg $0x9  }
0xb0: {  	_ =	task.clear_ibuf [dreg:s6], $0x4FFFF;
	_ =	strace $0x90000049  }
0xb1: {  	s29 =	simm.s32 $0x9;
	_ =	strace $0x8000004B  }
0xb2: {  	_ =	swait.ge [sflag:s29], $0x1  }
0xb3: {  	[sflag:s29] =	ssyncadd.s32 $0xFFFFFFFF  }
0xb4: {  	_ =	strace $0x9000004B  }
0xb5: {  	_ =	sfence  }
0xb6: {  	s30 =	sld [smem:$0x0];
	_ =	sdelay $0x2  }
0xb7: {  	s31 =	sshll.u32 s1, $0xD;
	s1 =	sshrl.u32 s1, $0x2  }
0xb8: {  	s3 =	sand.u32 $0x4000, s31;
	s1 =	sadd.s32 s1, s30  }
0xb9: {  	s0 =	sor.u32 s3, s0;
	s1 =	sshll.u32 s1, $0x11  }
0xba: {  	s0 =	sor.u32 s1, s0  }
0xbb: {  	s0 =	sadd.s32 $0x8F2B, s0  }
0xbc: {  	[sflag:s0] =	ssyncadd.remote.s32 $0x1  }
0xbd: {  	_ =	sfence.sel $0xFFFF  }
0xbe: {  	[dreg:$0x0] =	wrdreg $0xFFFFFFFF;
	(pc) =	sbr.abs _section_cstart, $3  }
0xbf: {  	[dreg:$0x1] =	wrdreg $0xFFFFFFFF  }
0xc0: {  	_ =	task.clear_ibuf [dreg:s6], $0x2FFFF;
	_ =	strace $0x9FFFFFFF  }
0xc1: {  	(tm) =	ssettm $0x7FFFFFFF  }
tec
execute0_lowered:
.L_overlay_start_1:
0x0: {  	(tag) =	ssettag $0x1  }
0x1: {  	s1 =	srdreg.scid;
	s0 =	stileid.u32  }
0x2: {  	s14 =	sand.u32 $0x1, s1;
	s31 =	sshll.u32 s0, $0x1  }
0x3: {  	s9 =	rddreg [dreg:$0x0];
	s10 =	sor.u32 s14, s31  }
0x4: {  	s2 =	simm.s32 $0x0;
	s1 =	rddreg [dreg:$0x1];
	s3 =	sshll.u32 s10, $0x6  }
0x5: {  	[smem:$0x7FF] =	sst s2;
	s3 =	sadd.s32 s3, s9  }
0x6: {  	_ =	strace $0x8000004A;
	s4 =	sadd.s32 $0x52800, s3;
	s3 =	simm.s32 $0x2  }
0x7: {  	[tilespmem:s2], [sflag:$0x2] =	stream.linear.gather [hbm4b:s4+s2], $0x200, $0x38;
	[tilespmem:$0x8200] =	vst v63  }
0x8: {  	_ =	swait.ge [sflag:s3], $0x200  }
0x9: {  	s6 =	simm.s32 $0x20;
	s7 =	simm.s32 $0x200;
	[sflag:s3] =	ssyncset.done $0x0  }
0xa: {  	s8 =	simm.s32 $0x1;
	s5 =	sadd.s32 $0x53000, s9;
	[sflag:s3] =	ssyncadd.s32 $0xFFFFFE00  }
0xb: {  	[tilespmem:s7], [sflag:$0x1] =	stream.indirect.gather [hbm4b:s5+s6], $0x400, s2, s6, $0xb8;
	[tilespmem:$0x8200] =	vst v63  }
0xc: {  	s10 =	sshll.u32 s10, $0xE;
	_ =	swait.ge [sflag:s8], $0x8000  }
0xd: {  	s15 =	sadd.s32 s10, s9;
	[sflag:s8] =	ssyncset.done $0x0  }
0xe: {  	s9 =	sadd.s32 $0xD3000, s15;
	[sflag:s8] =	ssyncadd.s32 $0xFFFF8000  }
0xf: {  	[hbm4b:s9+s2] =	stream.linear.scatter [tilespmem:s7], [sflag:$0x2], $0x8000, $0x38;
	[tilespmem:$0x8200] =	vst v63  }
0x10: {  	_ =	swait.ge [sflag:s3], $0x8000  }
0x11: {  	[sflag:s3] =	ssyncset.done $0x0  }
0x12: {  	s10 =	simm.s32 $0x80;
	[sflag:s3] =	ssyncadd.s32 $0xFFFF8000  }
0x13: {  	[tilespmem:s7], [sflag:$0x1] =	stream.indirect.gather [hbm4b:s5+s6], $0x400, s10, s6, $0xb8;
	[tilespmem:$0x8200] =	vst v63  }
0x14: {  	_ =	swait.ge [sflag:s8], $0x8000  }
0x15: {  	[sflag:s8] =	ssyncset.done $0x0  }
0x16: {  	s11 =	sadd.s32 $0xD4000, s15;
	[sflag:s8] =	ssyncadd.s32 $0xFFFF8000  }
0x17: {  	[hbm4b:s11+s2] =	stream.linear.scatter [tilespmem:s7], [sflag:$0x2], $0x8000, $0x38;
	[tilespmem:$0x8200] =	vst v63  }
0x18: {  	_ =	swait.ge [sflag:s3], $0x8000  }
0x19: {  	[sflag:s3] =	ssyncset.done $0x0  }
0x1a: {  	s12 =	simm.s32 $0x100;
	[sflag:s3] =	ssyncadd.s32 $0xFFFF8000  }
0x1b: {  	[tilespmem:s7], [sflag:$0x1] =	stream.indirect.gather [hbm4b:s5+s6], $0x400, s12, s6, $0xb8;
	[tilespmem:$0x8200] =	vst v63  }
0x1c: {  	_ =	swait.ge [sflag:s8], $0x8000  }
0x1d: {  	[sflag:s8] =	ssyncset.done $0x0  }
0x1e: {  	s16 =	ssub.s32 $0x2, s14;
	s13 =	sadd.s32 $0xD5000, s15;
	[sflag:s8] =	ssyncadd.s32 $0xFFFF8000  }
0x1f: {  	[hbm4b:s13+s2] =	stream.linear.scatter [tilespmem:s7], [sflag:$0x2], $0x8000, $0x38;
	[tilespmem:$0x8200] =	vst v63  }
0x20: {  	s17 =	sshrl.u32 s16, $0x1;
	_ =	swait.ge [sflag:s3], $0x8000  }
0x21: {  	s16 =	ssub.s32 s16, s17;
	[sflag:s3] =	ssyncset.done $0x0  }
0x22: {  	s14 =	simm.s32 $0x180;
	s16 =	smax.u32 s16, $0x1;
	[sflag:s3] =	ssyncadd.s32 $0xFFFF8000  }
0x23: {  	[tilespmem:s7], [sflag:$0x1] =	stream.indirect.gather [hbm4b:s5+s6], $0x400, s14, s6, $0xb8;
	[tilespmem:$0x8200] =	vst v63  }
0x24: {  	p0 =	sne.s32 s16, $0x1;
	_ =	swait.ge [sflag:s8], $0x8000  }
.Ltmp0:
0x25: {  	[sflag:s8] =	ssyncset.done $0x0;
	(pc) =	sbr.rel @!p0 .LBB2_2-.Ltmp0, $4  }
0x26: {  	s15 =	sadd.s32 $0xD6000, s15;
	[sflag:s8] =	ssyncadd.s32 $0xFFFF8000  }
0x27: {  	[hbm4b:s15+s2] =	stream.linear.scatter [tilespmem:s7], [sflag:$0x2], $0x8000, $0x38;
	[tilespmem:$0x8200] =	vst v63  }
0x28: {  	_ =	swait.ge [sflag:s3], $0x8000  }
0x29: {  	s16 =	sadd.s32 $0xFFFFFFFF, s16;
	[sflag:s3] =	ssyncset.done $0x0  }
.LBB2_1:
0x2a: {  	p0 =	sne.s32 s16, $0x1;
	s16 =	sadd.s32 $0xFFFFFFFF, s16;
	[sflag:s3] =	ssyncadd.s32 $0xFFFF8000  }
0x2b: {  	[tilespmem:s2], [sflag:$0x2] =	stream.linear.gather [hbm4b:s4+s2], $0x200, $0x38;
	[tilespmem:$0x8200] =	vst v63  }
0x2c: {  	_ =	swait.ge [sflag:s3], $0x200  }
0x2d: {  	[sflag:s3] =	ssyncset.done $0x0  }
0x2e: {  	[sflag:s3] =	ssyncadd.s32 $0xFFFFFE00  }
0x2f: {  	[tilespmem:s7], [sflag:$0x1] =	stream.indirect.gather [hbm4b:s5+s6], $0x400, s2, s6, $0xb8;
	[tilespmem:$0x8200] =	vst v63  }
0x30: {  	_ =	swait.ge [sflag:s8], $0x8000  }
0x31: {  	[sflag:s8] =	ssyncset.done $0x0  }
0x32: {  	[sflag:s8] =	ssyncadd.s32 $0xFFFF8000  }
0x33: {  	[hbm4b:s9+s2] =	stream.linear.scatter [tilespmem:s7], [sflag:$0x2], $0x8000, $0x38;
	[tilespmem:$0x8200] =	vst v63  }
0x34: {  	_ =	swait.ge [sflag:s3], $0x8000  }
0x35: {  	[sflag:s3] =	ssyncset.done $0x0  }
0x36: {  	[sflag:s3] =	ssyncadd.s32 $0xFFFF8000  }
0x37: {  	[tilespmem:s7], [sflag:$0x1] =	stream.indirect.gather [hbm4b:s5+s6], $0x400, s10, s6, $0xb8;
	[tilespmem:$0x8200] =	vst v63  }
0x38: {  	_ =	swait.ge [sflag:s8], $0x8000  }
0x39: {  	[sflag:s8] =	ssyncset.done $0x0  }
0x3a: {  	[sflag:s8] =	ssyncadd.s32 $0xFFFF8000  }
0x3b: {  	[hbm4b:s11+s2] =	stream.linear.scatter [tilespmem:s7], [sflag:$0x2], $0x8000, $0x38;
	[tilespmem:$0x8200] =	vst v63  }
0x3c: {  	_ =	swait.ge [sflag:s3], $0x8000  }
0x3d: {  	[sflag:s3] =	ssyncset.done $0x0  }
0x3e: {  	[sflag:s3] =	ssyncadd.s32 $0xFFFF8000  }
0x3f: {  	[tilespmem:s7], [sflag:$0x1] =	stream.indirect.gather [hbm4b:s5+s6], $0x400, s12, s6, $0xb8;
	[tilespmem:$0x8200] =	vst v63  }
0x40: {  	_ =	swait.ge [sflag:s8], $0x8000  }
0x41: {  	[sflag:s8] =	ssyncset.done $0x0  }
0x42: {  	[sflag:s8] =	ssyncadd.s32 $0xFFFF8000  }
0x43: {  	[hbm4b:s13+s2] =	stream.linear.scatter [tilespmem:s7], [sflag:$0x2], $0x8000, $0x38;
	[tilespmem:$0x8200] =	vst v63  }
0x44: {  	_ =	swait.ge [sflag:s3], $0x8000  }
0x45: {  	[sflag:s3] =	ssyncset.done $0x0  }
0x46: {  	[sflag:s3] =	ssyncadd.s32 $0xFFFF8000  }
0x47: {  	[tilespmem:s7], [sflag:$0x1] =	stream.indirect.gather [hbm4b:s5+s6], $0x400, s14, s6, $0xb8;
	[tilespmem:$0x8200] =	vst v63  }
0x48: {  	_ =	swait.ge [sflag:s8], $0x8000  }
.Ltmp1:
0x49: {  	[sflag:s8] =	ssyncset.done $0x0;
	(pc) =	sbr.rel @p0 .LBB2_1-.Ltmp1, $4  }
0x4a: {  	[sflag:s8] =	ssyncadd.s32 $0xFFFF8000  }
0x4b: {  	[hbm4b:s15+s2] =	stream.linear.scatter [tilespmem:s7], [sflag:$0x2], $0x8000, $0x38;
	[tilespmem:$0x8200] =	vst v63  }
0x4c: {  	_ =	swait.ge [sflag:s3], $0x8000  }
0x4d: {  	[sflag:s3] =	ssyncset.done $0x0  }
.LBB2_2:
0x4e: {  	[sflag:s3] =	ssyncadd.s32 $0xFFFF8000  }
0x4f: {  	_ =	sfence.sel $0x180000  }
0x50: {  	[bflag:$0x0] =	sbarrier.arrive $0xFFFF  }
0x51: {  	p0 =	sne.s32 s0, $0x0;
	_ =	strace $0x9000004A  }
0x52: {  	s0 =	sadd.s32 @!p0 $0x100000, s1;
	[bflag:$0x2] =	sbarrier.arrive $0xFFFF  }
0x53: {  	[sflag:s0] =	ssyncadd.tile.s32 @!p0 $0x1;
	_ =	shalt  }
.Lfunc_end2:
_tile_overlayer_lowered:
.L_overlay_start_2:
0x54: {  	(tag) =	ssettag $0x2  }
0x55: {  	s0 =	rddreg [dreg:$0x0];
	s2 =	stileid.u32  }
0x56: {  	s1 =	rddreg [dreg:$0x1];
	p0 =	sne.s32 s2, $0x0  }
0x57: {  	s3 =	rddreg [dreg:$0x2];
	[bflag:$0x3] =	sbarrier.arrive $0xFFFF;
	s2 =	simm.s32 @!p0 $0x1C02  }
0x58: {  	[timem:s3], [sflag:s2] =	dma.local @!p0 [hbm:s0], s1  }
0x59: {  	s0 =	simm.s32 @!p0 $0x2  }
0x5a: {  	_ =	swait.ge @!p0 [sflag:s0], s1  }
0x5b: {  	s1 =	ssub.s32 @!p0 $0x0, s1;
	[sflag:s0] =	ssyncset.done @!p0 $0x0  }
0x5c: {  	[sflag:s0] =	ssyncadd.s32 @!p0 s1  }
0x5d: {  	[bflag:$0x3] =	sbarrier.arrive $0xFFFF  }
0x5e: {  	_ =	shalt  }

// kernel: kernel.8.cloned.1.call-start
scs
__scs_entry_jumppad:
0x0: {  	(pc) =	sbr.rel $0x88, $3  }
0x1: {  	(tag) =	ssettag $0x0;
	lr =	simm.s32 $0x1  }
0x2: {  	[smem:$0x3F9B] =	sst lr;
	_ =	strace $0xD0000000  }
0x3: {  	_ = 	snop  }
0x4: {  	_ = 	snop  }
0x5: {  	_ = 	snop  }
0x6: {  	_ = 	snop  }
0x7: {  	_ = 	snop  }
__scs_overlays_trampoline_lowered:
0x8: {  	[smem:$0x3FAA] =	sst s0  }
0x9: {  	[smem:$0x3FAB] =	sst s1  }
0xa: {  	[smem:$0x3FAC] =	sst s2  }
0xb: {  	[smem:$0x3FAD] =	sst s3  }
0xc: {  	[smem:$0x3FAE] =	sst s4  }
0xd: {  	[smem:$0x3FAF] =	sst s5  }
0xe: {  	[smem:$0x3FB0] =	sst s6  }
0xf: {  	[smem:$0x3FB1] =	sst s7  }
0x10: {  	[smem:$0x3FB2] =	sst s8  }
0x11: {  	[smem:$0x3FB3] =	sst s9;
	s0 =	simm.s32 @!p0 $0x0  }
0x12: {  	s1 =	sld [smem:$0x3F99];
	s0 =	simm.s32 @p0 $0x1  }
0x13: {  	[smem:$0x3FB4] =	sst s0;
	s0 =	simm.s32 @!p1 $0x0  }
0x14: {  	s2 =	sld [smem:$0x3F98];
	s0 =	simm.s32 @p1 $0x1  }
0x15: {  	[smem:$0x3FB5] =	sst s0;
	s0 =	simm.s32 @!p2 $0x0  }
0x16: {  	s3 =	sld [smem:$0x3FDB];
	s0 =	simm.s32 @p2 $0x1  }
0x17: {  	s4 =	simm.s32 $0x1BF5;
	[smem:$0x3FB7] =	sst s0  }
0x18: {  	s0 =	sld [smem:$0x3F9A];
	_ =	swait.ge [sflag:s4], $0x0  }
0x19: {  	s7 =	sld [smem:$0x3F9B]  }
0x1a: {  	s8 =	sadd.s32 $0xFFFFE003, lr  }
0x1b: {  	s9 =	sadd.s32 $0xFFFFFEF7, lr;
	s5 =	simm.s32 $0xFFFFFFFF;
	p2 =	slt.u32 s8, $0xFFFFF086  }
0x1c: {  	p1 =	slt.u32 s9, $0xF7A;
	s5 =	simm.s32 @!p2 $0x0  }
0x1d: {  	s5 =	simm.s32 @p1 $0x1;
	p0 =	seq.s32 s7, s2  }
0x1e: {  	s7 =	smul.u32 @!p0 $0xF7A, s2;
	p2 =	seq.s32 @!p0 s5, $0x0  }
0x1f: {  	s9 =	smul.u32 $0xF7A, s1;
	s8 =	simm.s32 @!p0 $0x1BF5;
	p2 =	por !p2, p0  }
0x20: {  	[sflag:s8] =	ssyncset.s32 @!p0 $0xFFFFF086;
	s6 =	sadd.s32 @!p0 s3, s7;
	s7 =	simm.s32 @!p0 $0x108  }
0x21: {  	s3 =	sadd.s32 s3, s9;
	s6 =	sadd.s32 @!p0 $0x88, s6;
	s7 =	simm.s32 @p2 $0x1082  }
0x22: {  	[simem:s7], [sflag:s8] =	dma.local @!p0 [hbm:s6], $0xF7A  }
0x23: {  	s9 =	sor.u32 $0xD0000000, s2;
	s6 =	simm.s32 $0x108;
	_ =	swait.ge @!p0 [sflag:s8], $0x0  }
0x24: {  	s3 =	sadd.s32 $0x88, s3;
	s6 =	simm.s32 @!p1 $0x1082;
	[sflag:s4] =	ssyncset.s32 $0xFFFFF086  }
0x25: {  	[simem:s6], [sflag:s4] =	dma.local [hbm:s3], $0xF7A  }
0x26: {  	[smem:$0x3F9B] =	sst s1;
	(tag) =	ssettag s2;
	_ =	strace s9  }
0x27: {  	s1 =	sld [smem:$0x3FAB]  }
0x28: {  	s2 =	sld [smem:$0x3FAC]  }
0x29: {  	s4 =	sld [smem:$0x3FAE]  }
0x2a: {  	p0 =	seq.s32 s5, $0x0;
	s5 =	sld [smem:$0x3FAF]  }
0x2b: {  	s6 =	sld [smem:$0x3FB0]  }
0x2c: {  	s7 =	sld [smem:$0x3FB1]  }
0x2d: {  	s3 =	simm.s32 $0x108;
	s8 =	sld [smem:$0x3FB2]  }
0x2e: {  	s3 =	simm.s32 @!p0 $0x1082;
	s9 =	sld [smem:$0x3FB3]  }
0x2f: {  	lr =	sadd.s32 s0, s3;
	s0 =	sld [smem:$0x3FAA]  }
0x30: {  	s3 =	sld [smem:$0x3FAD]  }
0x31: {  	[smem:$0x3FB6] =	sst s10  }
0x32: {  	s10 =	sld [smem:$0x3FB4];
	_ =	sdelay $0x3  }
0x33: {  	p0 =	seq.s32 s10, $0x1;
	s10 =	sld [smem:$0x3FB6];
	_ =	sdelay $0x3  }
0x34: {  	[smem:$0x3FB6] =	sst s10  }
0x35: {  	s10 =	sld [smem:$0x3FB5];
	_ =	sdelay $0x3  }
0x36: {  	p1 =	seq.s32 s10, $0x1;
	s10 =	sld [smem:$0x3FB6];
	_ =	sdelay $0x3  }
0x37: {  	[smem:$0x3FB6] =	sst s10  }
0x38: {  	s10 =	sld [smem:$0x3FB7]  }
0x39: {  	_ = 	snop;
	(pc) =	sbr.ind lr, $3  }
0x3a: {  	_ = 	snop  }
0x3b: {  	_ = 	snop  }
0x3c: {  	p2 =	seq.s32 s10, $0x1;
	s10 =	sld [smem:$0x3FB6]  }
0x3d: {  	_ =	shalt  }
0x3e: {  	_ =	shalt  }
0x3f: {  	_ =	shalt  }
0x40: {  	_ =	shalt  }
0x41: {  	_ =	shalt  }
0x42: {  	_ =	shalt  }
0x43: {  	_ =	shalt  }
0x44: {  	_ =	shalt  }
0x45: {  	_ =	shalt  }
0x46: {  	_ =	shalt  }
0x47: {  	_ =	shalt  }
0x48: {  	_ =	shalt  }
0x49: {  	_ =	shalt  }
0x4a: {  	_ =	shalt  }
0x4b: {  	_ =	shalt  }
0x4c: {  	_ =	shalt  }
0x4d: {  	_ =	shalt  }
0x4e: {  	_ =	shalt  }
0x4f: {  	_ =	shalt  }
0x50: {  	_ =	shalt  }
0x51: {  	_ =	shalt  }
0x52: {  	_ =	shalt  }
0x53: {  	_ =	shalt  }
0x54: {  	_ =	shalt  }
0x55: {  	_ =	shalt  }
0x56: {  	_ =	shalt  }
0x57: {  	_ =	shalt  }
0x58: {  	_ =	shalt  }
0x59: {  	_ =	shalt  }
0x5a: {  	_ =	shalt  }
0x5b: {  	_ =	shalt  }
0x5c: {  	_ =	shalt  }
0x5d: {  	_ =	shalt  }
0x5e: {  	_ =	shalt  }
0x5f: {  	_ =	shalt  }
0x60: {  	_ =	shalt  }
0x61: {  	_ =	shalt  }
0x62: {  	_ =	shalt  }
0x63: {  	_ =	shalt  }
0x64: {  	_ =	shalt  }
0x65: {  	_ =	shalt  }
0x66: {  	_ =	shalt  }
0x67: {  	_ =	shalt  }
0x68: {  	_ =	shalt  }
0x69: {  	_ =	shalt  }
0x6a: {  	_ =	shalt  }
0x6b: {  	_ =	shalt  }
0x6c: {  	_ =	shalt  }
0x6d: {  	_ =	shalt  }
0x6e: {  	_ =	shalt  }
0x6f: {  	_ =	shalt  }
0x70: {  	_ =	shalt  }
0x71: {  	_ =	shalt  }
0x72: {  	_ =	shalt  }
0x73: {  	_ =	shalt  }
0x74: {  	_ =	shalt  }
0x75: {  	_ =	shalt  }
0x76: {  	_ =	shalt  }
0x77: {  	_ =	shalt  }
0x78: {  	_ =	shalt  }
0x79: {  	_ =	shalt  }
0x7a: {  	_ =	shalt  }
0x7b: {  	_ =	shalt  }
0x7c: {  	_ =	shalt  }
0x7d: {  	_ =	shalt  }
0x7e: {  	_ =	shalt  }
0x7f: {  	_ =	shalt  }
0x80: {  	_ =	shalt  }
0x81: {  	_ =	shalt  }
0x82: {  	_ =	shalt  }
0x83: {  	_ =	shalt  }
0x84: {  	_ =	shalt  }
0x85: {  	_ =	shalt  }
0x86: {  	_ =	shalt  }
0x87: {  	_ =	shalt  }
.Lfunc_end0:
.L_simem_size_0:
called_computation_lowered:
.L_overlay_start_0:
0x88: {  	s2 =	sld [smem:$0x3FD9]  }
0x89: {  	s3 =	sld [smem:$0x3FFE];
	_ =	sdelay $0x1  }
0x8a: {  	s1 =	srdreg.scid  }
0x8b: {  	s0 =	sand.u32 $0x1, s1  }
0x8c: {  	s17 =	sshll.u32 s0, $0xA;
	s2 =	sadd.s32 s3, s2  }
0x8d: {  	s2 =	sadd.s32 s2, s17  }
0x8e: {  	[smem:$0x3FC2] =	sst s2  }
0x8f: {  	_ = 	snop  }
0x90: {  	s2 =	sld [smem:$0x3FD0];
	(tm) =	ssettm $0x1  }
0x91: {  	s18 =	sld [smem:$0x3FFB];
	_ =	sdelay $0x3  }
0x92: {  	_ =	strace s18  }
0x93: {  	s3 =	sld [smem:$0x3FFC];
	_ =	sdelay $0x3  }
0x94: {  	_ =	strace s3  }
0x95: {  	s3 =	sld [smem:$0x3FFD];
	_ =	sdelay $0x3  }
0x96: {  	_ =	strace s3  }
0x97: {  	_ =	strace $0x8FFFFFFF  }
0x98: {  	s19 =	sld [smem:$0x3FDB];
	_ =	sdelay $0x1  }
0x99: {  	s4 =	simm.s32 $_scs_section_size  }
0x9a: {  	s5 =	simm.s32 $_size__tile_overlayer_lowered;
	s6 =	simm.s32 $_tile_overlayer_lowered  }
0x9b: {  	s22 =	simm.s32 $0x1BFF;
	s21 =	sshll.u32 s6, $0x1;
	s3 =	sadd.s32 s4, s19  }
0x9c: {  	s7 =	simm.s32 $0x0;
	s20 =	sshll.u32 s5, $0x1;
	s5 =	sadd.s32 s21, s3  }
0x9d: {  	[timem:s7], [sflag:s22] =	dma.local [hbm:s5], s20  }
0x9e: {  	_ =	swait.ge [sflag:s22], s20  }
0x9f: {  	s4 =	ssub.s32 $0x0, s20;
	[sflag:s22] =	ssyncset.done $0x0  }
0xa0: {  	[sflag:s22] =	ssyncadd.s32 s4;
	_ =	sdelay $0x1  }
0xa1: {  	s23 =	simm.s32 $0x1B8B  }
0xa2: {  	_ =	swait.ge [sflag:s23], $0x1  }
0xa3: {  	[sflag:s23] =	ssyncset.done $0x0  }
0xa4: {  	s25 =	simm.s32 $0x1B8E;
	s24 =	sld [smem:$0x3FFE];
	[sflag:s23] =	ssyncadd.s32 $0xFFFFFFFF  }
0xa5: {  	s26 =	simm.s32 $execute0_lowered;
	[smem:$0x3FD2] =	sst s25  }
0xa6: {  	s5 =	sshll.u32 s26, $0x1;
	_ =	strace $0x80000046;
	[dreg:$0x1] =	wrdreg $0xFFFFFFFF  }
0xa7: {  	s28 =	simm.s32 $_size_execute0_lowered;
	s3 =	sadd.s32 s3, s5;
	[dreg:$0x0] =	wrdreg $0x0  }
0xa8: {  	s5 =	sshll.u32 s28, $0x1;
	[dreg:$0x2] =	wrdreg s3  }
0xa9: {  	[dreg:$0x3] =	wrdreg s5  }
0xaa: {  	[dreg:$0x4] =	wrdreg $0xC0  }
0xab: {  	_ =	task [dreg:s7], $0x5FFFF  }
0xac: {  	[dreg:$0x1] =	wrdreg $0xFFFFFFFF  }
0xad: {  	[dreg:$0x0] =	wrdreg $0x60  }
0xae: {  	[dreg:$0x2] =	wrdreg s24  }
0xaf: {  	[dreg:$0x3] =	wrdreg s2  }
0xb0: {  	[dreg:$0x4] =	wrdreg $0x9  }
0xb1: {  	_ =	task.clear_ibuf [dreg:s7], $0x5FFFF;
	_ =	strace $0x90000046  }
0xb2: {  	s29 =	simm.s32 $0x9;
	_ =	strace $0x80000048  }
0xb3: {  	_ =	swait.ge [sflag:s29], $0x1  }
0xb4: {  	[sflag:s29] =	ssyncadd.s32 $0xFFFFFFFF  }
0xb5: {  	_ =	strace $0x90000048  }
0xb6: {  	_ =	sfence  }
0xb7: {  	s30 =	sld [smem:$0x0];
	_ =	sdelay $0x2  }
0xb8: {  	s31 =	sshll.u32 s1, $0xD;
	s1 =	sshrl.u32 s1, $0x2  }
0xb9: {  	s3 =	sand.u32 $0x4000, s31;
	s1 =	sadd.s32 s1, s30  }
0xba: {  	s0 =	sor.u32 s3, s0;
	s1 =	sshll.u32 s1, $0x11  }
0xbb: {  	s0 =	sor.u32 s1, s0  }
0xbc: {  	s0 =	sadd.s32 $0x8F2B, s0  }
0xbd: {  	[sflag:s0] =	ssyncadd.remote.s32 $0x1  }
0xbe: {  	_ =	sfence.sel $0xFFFF  }
0xbf: {  	[dreg:$0x0] =	wrdreg $0xFFFFFFFF;
	(pc) =	sbr.abs _section_cstart, $3  }
0xc0: {  	[dreg:$0x1] =	wrdreg $0xFFFFFFFF  }
0xc1: {  	_ =	task.clear_ibuf [dreg:s7], $0x2FFFF;
	_ =	strace $0x9FFFFFFF  }
0xc2: {  	(tm) =	ssettm $0x7FFFFFFF  }
0xc3: {  	_ =	shalt  }
tec
execute0_lowered:
.L_overlay_start_1:
0x0: {  	(tag) =	ssettag $0x1  }
0x1: {  	s1 =	srdreg.scid;
	s0 =	stileid.u32  }
0x2: {  	s6 =	rddreg [dreg:$0x0];
	s14 =	sand.u32 $0x1, s1;
	s4 =	sshll.u32 s0, $0x1  }
0x3: {  	s2 =	rddreg [dreg:$0x1];
	s3 =	simm.s32 $0x0;
	s4 =	sor.u32 s14, s4  }
0x4: {  	[smem:$0x7FF] =	sst s3;
	s5 =	sshll.u32 s4, $0x6  }
0x5: {  	s1 =	rddreg [dreg:$0x2];
	_ =	strace $0x80000047;
	s5 =	sadd.s32 s5, s6  }
0x6: {  	s7 =	sshll.u32 s4, $0xE;
	s4 =	sadd.s32 $0x52800, s5;
	s5 =	simm.s32 $0x2  }
0x7: {  	[tilespmem:s3], [sflag:$0x2] =	stream.linear.gather [hbm4b:s4+s3], $0x200, $0x38;
	[tilespmem:$0x8200] =	vst v63  }
0x8: {  	s7 =	sand.u32 $0x3C000, s7;
	_ =	swait.ge [sflag:s5], $0x200  }
0x9: {  	s15 =	sadd.s32 s7, s6;
	[sflag:s5] =	ssyncset.done $0x0  }
0xa: {  	s7 =	simm.s32 $0x200;
	s6 =	sadd.s32 $0x2800, s15;
	[sflag:s5] =	ssyncadd.s32 $0xFFFFFE00  }
0xb: {  	[tilespmem:s7], [sflag:$0x2] =	stream.linear.gather [hbm4b:s6+s3], $0x8000, $0x38;
	[tilespmem:$0x8200] =	vst v63  }
0xc: {  	_ =	swait.ge [sflag:s5], $0x8000  }
0xd: {  	[sflag:s5] =	ssyncset.done $0x0  }
0xe: {  	s9 =	simm.s32 $0x20;
	s8 =	simm.s32 $0x1;
	[sflag:s5] =	ssyncadd.s32 $0xFFFF8000  }
0xf: {  	[hbm4b:s2+s9] =	stream.indirect.scatter [tilespmem:s7], [sflag:$0x1], $0x400, s3, s9, $0xb8;
	[tilespmem:$0x8200] =	vst v63  }
0x10: {  	_ =	swait.ge [sflag:s8], $0x8000  }
0x11: {  	[sflag:s8] =	ssyncset.done $0x0  }
0x12: {  	s10 =	sadd.s32 $0x3800, s15;
	[sflag:s8] =	ssyncadd.s32 $0xFFFF8000  }
0x13: {  	[tilespmem:s7], [sflag:$0x2] =	stream.linear.gather [hbm4b:s10+s3], $0x8000, $0x38;
	[tilespmem:$0x8200] =	vst v63  }
0x14: {  	_ =	swait.ge [sflag:s5], $0x8000  }
0x15: {  	[sflag:s5] =	ssyncset.done $0x0  }
0x16: {  	s11 =	simm.s32 $0x80;
	[sflag:s5] =	ssyncadd.s32 $0xFFFF8000  }
0x17: {  	[hbm4b:s2+s9] =	stream.indirect.scatter [tilespmem:s7], [sflag:$0x1], $0x400, s11, s9, $0xb8;
	[tilespmem:$0x8200] =	vst v63  }
0x18: {  	_ =	swait.ge [sflag:s8], $0x8000  }
0x19: {  	[sflag:s8] =	ssyncset.done $0x0  }
0x1a: {  	s12 =	sadd.s32 $0x4800, s15;
	[sflag:s8] =	ssyncadd.s32 $0xFFFF8000  }
0x1b: {  	[tilespmem:s7], [sflag:$0x2] =	stream.linear.gather [hbm4b:s12+s3], $0x8000, $0x38;
	[tilespmem:$0x8200] =	vst v63  }
0x1c: {  	_ =	swait.ge [sflag:s5], $0x8000  }
0x1d: {  	[sflag:s5] =	ssyncset.done $0x0  }
0x1e: {  	s13 =	simm.s32 $0x100;
	s16 =	ssub.s32 $0x2, s14;
	[sflag:s5] =	ssyncadd.s32 $0xFFFF8000  }
0x1f: {  	[hbm4b:s2+s9] =	stream.indirect.scatter [tilespmem:s7], [sflag:$0x1], $0x400, s13, s9, $0xb8;
	[tilespmem:$0x8200] =	vst v63  }
0x20: {  	s31 =	sshrl.u32 s16, $0x1;
	_ =	swait.ge [sflag:s8], $0x8000  }
0x21: {  	s14 =	sadd.s32 $0x5800, s15;
	s15 =	ssub.s32 s16, s31;
	[sflag:s8] =	ssyncset.done $0x0  }
0x22: {  	s16 =	smax.u32 s15, $0x1;
	[sflag:s8] =	ssyncadd.s32 $0xFFFF8000  }
0x23: {  	[tilespmem:s7], [sflag:$0x2] =	stream.linear.gather [hbm4b:s14+s3], $0x8000, $0x38;
	[tilespmem:$0x8200] =	vst v63  }
0x24: {  	p0 =	sne.s32 s16, $0x1;
	_ =	swait.ge [sflag:s5], $0x8000  }
.Ltmp0:
0x25: {  	[sflag:s5] =	ssyncset.done $0x0;
	(pc) =	sbr.rel @!p0 .LBB2_2-.Ltmp0, $4  }
0x26: {  	s15 =	simm.s32 $0x180;
	[sflag:s5] =	ssyncadd.s32 $0xFFFF8000  }
0x27: {  	[hbm4b:s2+s9] =	stream.indirect.scatter [tilespmem:s7], [sflag:$0x1], $0x400, s15, s9, $0xb8;
	[tilespmem:$0x8200] =	vst v63  }
0x28: {  	_ =	swait.ge [sflag:s8], $0x8000  }
0x29: {  	s16 =	sadd.s32 $0xFFFFFFFF, s16;
	[sflag:s8] =	ssyncset.done $0x0  }
.LBB2_1:
0x2a: {  	p0 =	sne.s32 s16, $0x1;
	s16 =	sadd.s32 $0xFFFFFFFF, s16;
	[sflag:s8] =	ssyncadd.s32 $0xFFFF8000  }
0x2b: {  	[tilespmem:s3], [sflag:$0x2] =	stream.linear.gather [hbm4b:s4+s3], $0x200, $0x38;
	[tilespmem:$0x8200] =	vst v63  }
0x2c: {  	_ =	swait.ge [sflag:s5], $0x200  }
0x2d: {  	[sflag:s5] =	ssyncset.done $0x0  }
0x2e: {  	[sflag:s5] =	ssyncadd.s32 $0xFFFFFE00  }
0x2f: {  	[tilespmem:s7], [sflag:$0x2] =	stream.linear.gather [hbm4b:s6+s3], $0x8000, $0x38;
	[tilespmem:$0x8200] =	vst v63  }
0x30: {  	_ =	swait.ge [sflag:s5], $0x8000  }
0x31: {  	[sflag:s5] =	ssyncset.done $0x0  }
0x32: {  	[sflag:s5] =	ssyncadd.s32 $0xFFFF8000  }
0x33: {  	[hbm4b:s2+s9] =	stream.indirect.scatter [tilespmem:s7], [sflag:$0x1], $0x400, s3, s9, $0xb8;
	[tilespmem:$0x8200] =	vst v63  }
0x34: {  	_ =	swait.ge [sflag:s8], $0x8000  }
0x35: {  	[sflag:s8] =	ssyncset.done $0x0  }
0x36: {  	[sflag:s8] =	ssyncadd.s32 $0xFFFF8000  }
0x37: {  	[tilespmem:s7], [sflag:$0x2] =	stream.linear.gather [hbm4b:s10+s3], $0x8000, $0x38;
	[tilespmem:$0x8200] =	vst v63  }
0x38: {  	_ =	swait.ge [sflag:s5], $0x8000  }
0x39: {  	[sflag:s5] =	ssyncset.done $0x0  }
0x3a: {  	[sflag:s5] =	ssyncadd.s32 $0xFFFF8000  }
0x3b: {  	[hbm4b:s2+s9] =	stream.indirect.scatter [tilespmem:s7], [sflag:$0x1], $0x400, s11, s9, $0xb8;
	[tilespmem:$0x8200] =	vst v63  }
0x3c: {  	_ =	swait.ge [sflag:s8], $0x8000  }
0x3d: {  	[sflag:s8] =	ssyncset.done $0x0  }
0x3e: {  	[sflag:s8] =	ssyncadd.s32 $0xFFFF8000  }
0x3f: {  	[tilespmem:s7], [sflag:$0x2] =	stream.linear.gather [hbm4b:s12+s3], $0x8000, $0x38;
	[tilespmem:$0x8200] =	vst v63  }
0x40: {  	_ =	swait.ge [sflag:s5], $0x8000  }
0x41: {  	[sflag:s5] =	ssyncset.done $0x0  }
0x42: {  	[sflag:s5] =	ssyncadd.s32 $0xFFFF8000  }
0x43: {  	[hbm4b:s2+s9] =	stream.indirect.scatter [tilespmem:s7], [sflag:$0x1], $0x400, s13, s9, $0xb8;
	[tilespmem:$0x8200] =	vst v63  }
0x44: {  	_ =	swait.ge [sflag:s8], $0x8000  }
0x45: {  	[sflag:s8] =	ssyncset.done $0x0  }
0x46: {  	[sflag:s8] =	ssyncadd.s32 $0xFFFF8000  }
0x47: {  	[tilespmem:s7], [sflag:$0x2] =	stream.linear.gather [hbm4b:s14+s3], $0x8000, $0x38;
	[tilespmem:$0x8200] =	vst v63  }
0x48: {  	_ =	swait.ge [sflag:s5], $0x8000  }
.Ltmp1:
0x49: {  	[sflag:s5] =	ssyncset.done $0x0;
	(pc) =	sbr.rel @p0 .LBB2_1-.Ltmp1, $4  }
0x4a: {  	[sflag:s5] =	ssyncadd.s32 $0xFFFF8000  }
0x4b: {  	[hbm4b:s2+s9] =	stream.indirect.scatter [tilespmem:s7], [sflag:$0x1], $0x400, s15, s9, $0xb8;
	[tilespmem:$0x8200] =	vst v63  }
0x4c: {  	_ =	swait.ge [sflag:s8], $0x8000  }
0x4d: {  	[sflag:s8] =	ssyncset.done $0x0  }
.LBB2_2:
0x4e: {  	[sflag:s8] =	ssyncadd.s32 $0xFFFF8000  }
0x4f: {  	_ =	sfence.sel $0x180000  }
0x50: {  	[bflag:$0x0] =	sbarrier.arrive $0xFFFF  }
0x51: {  	p0 =	sne.s32 s0, $0x0;
	_ =	strace $0x90000047  }
0x52: {  	s0 =	sadd.s32 @!p0 $0x100000, s1;
	[bflag:$0x2] =	sbarrier.arrive $0xFFFF  }
0x53: {  	[sflag:s0] =	ssyncadd.tile.s32 @!p0 $0x1;
	_ =	shalt  }
.Lfunc_end2:
_tile_overlayer_lowered:
.L_overlay_start_2:
0x54: {  	(tag) =	ssettag $0x2  }
0x55: {  	s0 =	rddreg [dreg:$0x0];
	s2 =	stileid.u32  }
0x56: {  	s1 =	rddreg [dreg:$0x1];
	p0 =	sne.s32 s2, $0x0  }
0x57: {  	s3 =	rddreg [dreg:$0x2];
	[bflag:$0x3] =	sbarrier.arrive $0xFFFF;
	s2 =	simm.s32 @!p0 $0x1C02  }
0x58: {  	[timem:s3], [sflag:s2] =	dma.local @!p0 [hbm:s0], s1  }
0x59: {  	s0 =	simm.s32 @!p0 $0x2  }
0x5a: {  	_ =	swait.ge @!p0 [sflag:s0], s1  }
0x5b: {  	s1 =	ssub.s32 @!p0 $0x0, s1;
	[sflag:s0] =	ssyncset.done @!p0 $0x0  }
0x5c: {  	[sflag:s0] =	ssyncadd.s32 @!p0 s1  }
0x5d: {  	[bflag:$0x3] =	sbarrier.arrive $0xFFFF  }
0x5e: {  	_ =	shalt  }

</sc_bundles>
